<compile_context>
chip_gen: v7x
topology: tpu7x:2x2x1
jax: 0.10.2.dev20260603
libtpu: 0.0.44.dev20260713+nightly
codegen_flags: <defaults>
</compile_context>

<pallas_src>
import functools
import math

import numpy as np
import jax
import jax.numpy as jnp
from jax import lax
from jax.experimental import pallas as pl
from jax.experimental.pallas import tpu as pltpu
from jax.experimental.pallas import tpu_sc as plsc

_NSPH = 7
_NRAD = 6
_CUTOFF = 5.0
_ENV_P = 6
_NE = 160000
_NQ = 320000
_NB = 48
_NF = _NSPH * _NSPH
_NO = _NF * _NRAD



def _bess_jn_np(x, n):
    x = np.asarray(x, dtype=np.float64)
    j0 = np.sin(x) / x
    if n == 0:
        return j0
    j1 = np.sin(x) / x**2 - np.cos(x) / x
    if n == 1:
        return j1
    jm1, jc = j0, j1
    for l in range(1, n):
        jm1, jc = jc, (2 * l + 1) / x * jc - jm1
    return jc


def _bess_zeros_np(n, k):
    zerosj = np.zeros((n, k))
    zerosj[0] = np.arange(1, k + 1) * np.pi
    points = np.arange(1, k + n) * np.pi
    racines = np.zeros(k + n - 1)
    for i in range(1, n):
        for j in range(k + n - 1 - i):
            a, b = float(points[j]), float(points[j + 1])
            fa = _bess_jn_np(a, i)
            for _ in range(200):
                m = 0.5 * (a + b)
                fm = _bess_jn_np(m, i)
                if fa * fm <= 0:
                    b = m
                else:
                    a, fa = m, fm
            racines[j] = 0.5 * (a + b)
        points = racines.copy()
        zerosj[i][:k] = racines[:k]
    return zerosj


def _sph_feats_np(theta, phi):
    L = _NSPH
    theta = np.asarray(theta, dtype=np.float64)
    phi = np.asarray(phi, dtype=np.float64)
    ct, st = np.cos(theta), np.sin(theta)
    P = [[None] * (l + 1) for l in range(L)]
    P[0][0] = np.ones_like(ct)
    P[1][0] = ct
    for l in range(2, L):
        P[l][0] = ((2 * l - 1) * ct * P[l - 1][0] - (l - 1) * P[l - 2][0]) / l
    for m in range(1, L):
        P[m][m] = (1 - 2 * m) * P[m - 1][m - 1]
        if m + 1 < L:
            P[m + 1][m] = (2 * m + 1) * ct * P[m][m]
        for l in range(m + 2, L):
            P[l][m] = ((2 * l - 1) * ct * P[l - 1][m] - (m + l - 1) * P[l - 2][m]) / (l - m)

    def pref(l, m):
        return ((2 * l + 1) * math.factorial(l - abs(m)) /
                (4 * math.pi * math.factorial(l + abs(m)))) ** 0.5

    C = [np.ones_like(theta)]
    S = [np.zeros_like(theta)]
    for m in range(1, L):
        C.append(st**m * np.cos(m * phi))
        S.append(st**m * np.sin(m * phi))
    feats = []
    for l in range(L):
        feats.append(pref(l, 0) * P[l][0])
        pos = [2**0.5 * pref(l, m) * C[m] * P[l][m] for m in range(1, l + 1)]
        neg = [2**0.5 * pref(l, -m) * S[m] * P[l][m] for m in range(1, l + 1)]
        feats.extend(pos)
        feats.extend(reversed(neg))
    return np.stack(feats, axis=1)


def _feature_meta():
    meta = []
    for l in range(_NSPH):
        meta.append((l, 0, False))
        for m in range(1, l + 1):
            meta.append((l, m, False))
        for m in range(l, 0, -1):
            meta.append((l, m, True))
    return meta


def _build_constants():
    zeros = _bess_zeros_np(_NSPH, _NRAD)
    norm = np.array([[1.0 / np.sqrt(0.5 * _bess_jn_np(zeros[l, i], l + 1) ** 2)
                      for i in range(_NRAD)] for l in range(_NSPH)])
    norm_const = (1.0 / _CUTOFF) ** 1.5

    c1 = np.zeros((16, _NB), dtype=np.float64)
    c1[0, :] = 1.0
    for l in range(_NSPH):
        for j in range(_NRAD):
            col = 6 * l + j
            c1[0, col] = zeros[l, j]
            c1[1, col] = norm[l, j] * norm_const
            c1[2 + l, col] = 1.0

    meta = _feature_meta()
    s_alpha = np.linspace(0.013, math.pi - 0.013, 41)
    design = np.concatenate(
        [np.cos(np.outer(s_alpha, np.arange(7)))] +
        [np.sin(np.outer(s_alpha, np.arange(1, 7)))], axis=1)
    acoef = np.zeros((13, _NF))
    feats_at = {0.0: _sph_feats_np(s_alpha, 0.0)}
    for k, (l, m, is_sin) in enumerate(meta):
        phi0 = (math.pi / (2 * m)) if is_sin else 0.0
        if phi0 not in feats_at:
            feats_at[phi0] = _sph_feats_np(s_alpha, phi0)
        avals = feats_at[phi0][:, k]
        acoef[:, k] = np.linalg.lstsq(design, avals, rcond=None)[0]

    jmp = np.zeros((8, 16), dtype=np.float64)
    jmp[0, 0:7] = np.arange(7)
    jmp[0, 7:13] = np.arange(1, 7)
    jmp[1, 7:13] = -math.pi / 2

    u16 = np.zeros((16, _NO), dtype=np.float64)
    oh16 = np.zeros((16, _NO), dtype=np.float64)
    a48 = np.zeros((_NB, _NO), dtype=np.float64)
    for c in range(_NO):
        k, j = divmod(c, 6)
        l, m, is_sin = meta[k]
        u16[0:13, c] = acoef[:, k]
        oh16[(6 + m) if is_sin else m, c] = 1.0
        a48[6 * l + j, c] = 1.0

    f32 = np.float32
    return (c1.astype(f32), jmp.astype(f32), u16.astype(f32),
            oh16.astype(f32), a48.astype(f32))


_C1, _JMP, _U16, _OH16, _A48 = _build_constants()

_C1V = np.ascontiguousarray(_C1.T)
_FPC = np.zeros((16, 8), dtype=np.float32)
_FPC[:, 0] = _JMP[0, :16]
_FPC[:, 1] = _JMP[1, :16]



_BE = 3200


def _rbf_table_body(d_ref, c1_ref, o_ref):
    d = d_ref[0] * (1.0 / _CUTOFF)
    zc = c1_ref[:, 0:1]
    nc = c1_ref[:, 1:2]
    z = zc * d
    s = jnp.sin(z)
    c = jnp.cos(z)
    rz = 1.0 / z
    j0 = s * rz
    j1 = (s * rz - c) * rz
    res = j0 * c1_ref[:, 2:3] + j1 * c1_ref[:, 3:4]
    jm1, jc = j0, j1
    for l in range(1, _NSPH - 1):
        jm1, jc = jc, (2 * l + 1) * rz * jc - jm1
        res = res + jc * c1_ref[:, 4 + l - 1:5 + l - 1]
    p = _ENV_P
    a = -(p + 1) * (p + 2) / 2.0
    b = float(p * (p + 2))
    cc = -p * (p + 1) / 2.0
    d2 = d * d
    d4 = d2 * d2
    dpm1 = d4 * d
    env = 1.0 / d + a * dpm1 + b * dpm1 * d + cc * dpm1 * d2
    env = jnp.where(d < 1.0, env, jnp.zeros_like(d))
    o_ref[...] = (res * nc * env).T


def _rbf_table(d_row):
    grid = _NE // _BE
    return pl.pallas_call(
        _rbf_table_body,
        grid=(grid,),
        in_specs=[
            pl.BlockSpec((1, 1, _BE), lambda i: (i, 0, 0)),
            pl.BlockSpec((_NB, 16), lambda i: (0, 0)),
        ],
        out_specs=pl.BlockSpec((_BE, _NB), lambda i: (i, 0)),
        out_shape=jax.ShapeDtypeStruct((_NE, _NB), jnp.float32),
        compiler_params=pltpu.CompilerParams(
            dimension_semantics=("arbitrary",)),
    )(d_row, jnp.asarray(_C1V))



_NC = 2
_NS = 16
_NW = _NC * _NS
_CH = 128
_NCHUNKS = _NQ // _CH
_NT = (_NCHUNKS + _NW - 1) // _NW


def _sc_gather(table, idx):
    pad = _NW * _NT * _CH - _NQ
    idxp = jnp.concatenate([idx, jnp.zeros((pad,), jnp.int32)])
    idx4 = idxp.reshape(_NT, _NW, 1, _CH).transpose(1, 0, 2, 3)
    idx4 = idx4.reshape(_NW * _NT, 1, _CH)

    @functools.partial(
        pl.kernel,
        mesh=plsc.VectorSubcoreMesh(core_axis_name="c", subcore_axis_name="s"),
        out_type=jax.ShapeDtypeStruct((_NQ, _NB), jnp.float32),
        scratch_types=[
            pltpu.VMEM((_NT, 1, _CH), jnp.int32),
            pltpu.VMEM((2, _CH, _NB), jnp.float32),
            pltpu.SemaphoreType.DMA((2,)),
        ],
        compiler_params=pltpu.CompilerParams(use_tc_tiling_on_sc=False),
    )
    def gk(tab_ref, idx_ref, out_ref, idx_v, rows_v, sem):
        wid = lax.axis_index("s") * _NC + lax.axis_index("c")
        nt = (_NCHUNKS - wid + _NW - 1) // _NW
        pltpu.sync_copy(idx_ref.at[pl.ds(wid * _NT, _NT)], idx_v)

        def issue(t, b):
            pltpu.async_copy(tab_ref.at[idx_v.at[t].at[0]], rows_v.at[b],
                             sem.at[b])

        def drain(t, b):
            pltpu.make_async_copy(tab_ref.at[idx_v.at[t].at[0]],
                                  rows_v.at[b], sem.at[b]).wait()
            chunk = wid + t * _NW
            pltpu.sync_copy(rows_v.at[b], out_ref.at[pl.ds(chunk * _CH, _CH)])

        issue(0, 0)

        def body(k, carry):
            t0 = 2 * k
            t1 = t0 + 1

            @pl.when(t1 < nt)
            def _issue1():
                issue(t1, 1)

            drain(t0, 0)

            @pl.when(t1 < nt)
            def _second():
                @pl.when(t1 + 1 < nt)
                def _issue0():
                    issue(t1 + 1, 0)

                drain(t1, 1)

            return carry

        lax.fori_loop(0, (nt + 1) // 2, body, 0)

    return gk(table, idx4)



_BQ = 3200


def _combine_body(g_ref, a_ref, t_ref, fp_ref, ut_ref, oht_ref, a48t_ref, o_ref):
    fc = fp_ref[:, 0:1]
    pc = fp_ref[:, 1:2]
    ca = jnp.cos(fc * a_ref[0] + pc)
    cp = jnp.cos(fc * t_ref[0] + pc)
    ap = jnp.dot(ut_ref[...], ca, preferred_element_type=jnp.float32)
    ph = jnp.dot(oht_ref[...], cp, preferred_element_type=jnp.float32)
    g = lax.dot_general(a48t_ref[...], g_ref[...],
                        dimension_numbers=(((1,), (1,)), ((), ())),
                        preferred_element_type=jnp.float32)
    o_ref[...] = ap * ph * g


def _combine(g, al_row, th_row):
    grid = _NQ // _BQ
    return pl.pallas_call(
        _combine_body,
        grid=(grid,),
        in_specs=[
            pl.BlockSpec((_BQ, _NB), lambda i: (i, 0)),
            pl.BlockSpec((1, 1, _BQ), lambda i: (i, 0, 0)),
            pl.BlockSpec((1, 1, _BQ), lambda i: (i, 0, 0)),
            pl.BlockSpec((16, 8), lambda i: (0, 0)),
            pl.BlockSpec((_NO, 16), lambda i: (0, 0)),
            pl.BlockSpec((_NO, 16), lambda i: (0, 0)),
            pl.BlockSpec((_NO, _NB), lambda i: (0, 0)),
        ],
        out_specs=pl.BlockSpec((_NO, _BQ), lambda i: (0, i)),
        out_shape=jax.ShapeDtypeStruct((_NO, _NQ), jnp.float32),
        compiler_params=pltpu.CompilerParams(
            dimension_semantics=("arbitrary",)),
    )(g, al_row, th_row, jnp.asarray(_FPC),
      jnp.asarray(np.ascontiguousarray(_U16.T)),
      jnp.asarray(np.ascontiguousarray(_OH16.T)),
      jnp.asarray(np.ascontiguousarray(_A48.T)))


def kernel(D_ca, Alpha_cab, Theta_cabd, id4_reduce_ca, Kidx):
    table = _rbf_table(D_ca.reshape(_NE // _BE, 1, _BE))
    g = _sc_gather(table, id4_reduce_ca)
    out_t = _combine(g, Alpha_cab.reshape(_NQ // _BQ, 1, _BQ),
                     Theta_cabd.reshape(_NQ // _BQ, 1, _BQ))
    return out_t.T

# --- scband reference (transcript-rebuilt; emitter-appended) ---
"""Pipeline reference for scband-tensor-basis-layer-76639396430001 (READ-ONLY COPY).

The authoritative reference and input builder live on the scoring server;
editing this copy changes nothing except your own understanding.
"""

import jax, jax.numpy as jnp
import numpy as np
import math

NUM_SPHERICAL = 7
NUM_RADIAL = 6
CUTOFF = 5.0
ENV_EXPONENT = 5
N_EDGES = 160000
N_QUAD = 320000


def _np_sph_jn(x, n):
    x = np.asarray(x, dtype=np.float64)
    j0 = np.sin(x) / x
    if n == 0:
        return j0
    j1 = np.sin(x) / x**2 - np.cos(x) / x
    if n == 1:
        return j1
    jm1, jc = j0, j1
    for l in range(1, n):
        jm1, jc = jc, (2 * l + 1) / x * jc - jm1
    return jc


def _jn_zeros(n, k):
    zerosj = np.zeros((n, k))
    zerosj[0] = np.arange(1, k + 1) * np.pi
    points = np.arange(1, k + n) * np.pi
    racines = np.zeros(k + n - 1)
    for i in range(1, n):
        for j in range(k + n - 1 - i):
            a, b = float(points[j]), float(points[j + 1])
            fa = _np_sph_jn(a, i)
            for _ in range(200):
                m = 0.5 * (a + b)
                fm = _np_sph_jn(m, i)
                if fa * fm <= 0:
                    b = m
                else:
                    a, fa = m, fm
            racines[j] = 0.5 * (a + b)
        points = racines.copy()
        zerosj[i][:k] = racines[:k]
    return zerosj


_ZEROS = _jn_zeros(NUM_SPHERICAL, NUM_RADIAL)
_NORM = np.array([[1.0 / np.sqrt(0.5 * _np_sph_jn(_ZEROS[l, i], l + 1) ** 2)
                   for i in range(NUM_RADIAL)] for l in range(NUM_SPHERICAL)])


def _sph_jl(x, l):
    j0 = jnp.sin(x) / x
    if l == 0:
        return j0
    j1 = jnp.sin(x) / x**2 - jnp.cos(x) / x
    if l == 1:
        return j1
    jm1, jc = j0, j1
    for k in range(1, l):
        jm1, jc = jc, (2 * k + 1) / x * jc - jm1
    return jc


def _envelope(d):
    p = ENV_EXPONENT + 1
    a = -(p + 1) * (p + 2) / 2
    b = p * (p + 2)
    c = -p * (p + 1) / 2
    env = 1.0 / d + a * d ** (p - 1) + b * d**p + c * d ** (p + 1)
    return jnp.where(d < 1.0, env, jnp.zeros_like(d))


def _pref(l, m):
    return ((2 * l + 1) * math.factorial(l - abs(m)) /
            (4 * math.pi * math.factorial(l + abs(m)))) ** 0.5


def _sph_harm_all(theta, phi):
    L = NUM_SPHERICAL
    ct, st = jnp.cos(theta), jnp.sin(theta)
    P = [[None] * (l + 1) for l in range(L)]
    P[0][0] = jnp.ones_like(ct)
    P[1][0] = ct
    for l in range(2, L):
        P[l][0] = ((2 * l - 1) * ct * P[l - 1][0] - (l - 1) * P[l - 2][0]) / l
    for m in range(1, L):
        P[m][m] = (1 - 2 * m) * P[m - 1][m - 1]
        if m + 1 < L:
            P[m + 1][m] = (2 * m + 1) * ct * P[m][m]
        for l in range(m + 2, L):
            P[l][m] = ((2 * l - 1) * ct * P[l - 1][m] - (m + l - 1) * P[l - 2][m]) / (l - m)
    C = [jnp.ones_like(theta)]
    S = [jnp.zeros_like(theta)]
    for m in range(1, L):
        C.append(st**m * jnp.cos(m * phi))
        S.append(st**m * jnp.sin(m * phi))
    feats = []
    for l in range(L):
        feats.append(_pref(l, 0) * P[l][0])
        pos = [2**0.5 * _pref(l, m) * C[m] * P[l][m] for m in range(1, l + 1)]
        neg = [2**0.5 * _pref(l, -m) * S[m] * P[l][m] for m in range(1, l + 1)]
        feats.extend(pos)
        feats.extend(reversed(neg))
    return jnp.stack(feats, axis=1)


def _forward(D_ca, Alpha_cab, Theta_cabd, id4_reduce_ca, Kidx):
    inv_cutoff = 1.0 / CUTOFF
    norm_const = inv_cutoff**1.5
    d_scaled = D_ca * inv_cutoff
    u_d = _envelope(d_scaled)
    rbf = []
    for l in range(NUM_SPHERICAL):
        for j in range(NUM_RADIAL):
            rbf.append(_NORM[l, j] * _sph_jl(_ZEROS[l, j] * d_scaled, l))
    rbf = jnp.stack(rbf, axis=1) * norm_const
    rbf_env = u_d[:, None] * rbf
    rbf_env = rbf_env.reshape(-1, NUM_SPHERICAL, NUM_RADIAL)
    degree_in_order = np.arange(NUM_SPHERICAL) * 2 + 1
    rbf_env = jnp.repeat(rbf_env, degree_in_order, axis=1)
    rbf_env = rbf_env.reshape(-1, NUM_SPHERICAL**2 * NUM_RADIAL)
    rbf_env = jnp.take(rbf_env, id4_reduce_ca, axis=0)
    sph = _sph_harm_all(Alpha_cab, Theta_cabd)
    sph = jnp.repeat(sph, NUM_RADIAL, axis=1)
    return rbf_env * sph


def setup_inputs(seed: int = 0) -> dict:
    key = jax.random.key(seed)
    k1, k2, k3, k4, k5 = jax.random.split(key, 5)
    D_ca = jax.random.uniform(k1, (N_EDGES,), dtype=jnp.float32, minval=0.5, maxval=4.9)
    Alpha_cab = jax.random.uniform(k2, (N_QUAD,), dtype=jnp.float32, minval=0.05, maxval=3.09)
    Theta_cabd = jax.random.uniform(k3, (N_QUAD,), dtype=jnp.float32, minval=0.0, maxval=2.0 * np.pi)
    id4_reduce_ca = jax.random.randint(k4, (N_QUAD,), 0, N_EDGES, dtype=jnp.int32)
    Kidx = jax.random.randint(k5, (N_QUAD,), 0, 32, dtype=jnp.int32)
    return {"D_ca": D_ca, "Alpha_cab": Alpha_cab, "Theta_cabd": Theta_cabd,
            "id4_reduce_ca": id4_reduce_ca, "Kidx": Kidx}


def reference(D_ca, Alpha_cab, Theta_cabd, id4_reduce_ca, Kidx):
    return _forward(D_ca, Alpha_cab, Theta_cabd, id4_reduce_ca, Kidx)

if __name__ == "__main__":
    import jax
    _d = setup_inputs()
    print(jax.jit(kernel)(*tuple(_d.values())))

</pallas_src>

<mosaic_0001>
#map = affine_map<(d0, d1) -> (0, 0)>
#map1 = affine_map<(d0, d1) -> (0, 0, 0)>
module attributes {stable_mosaic.version = 14 : i64} {
  func.func @gk(%arg0: i32, %arg1: i32, %arg2: memref<160000x48xf32, #tpu.memory_space<hbm>>, %arg3: memref<2528x1x128xi32, #tpu.memory_space<hbm>>, %arg4: memref<320000x48xf32, #tpu.memory_space<hbm>>, %arg5: memref<79x1x128xi32, #tpu.memory_space<vmem>>, %arg6: memref<2x128x48xf32, #tpu.memory_space<vmem>>, %arg7: memref<2x!tpu.dma_semaphore, #tpu.memory_space<semaphore_mem>>) attributes {dimension_semantics = [#tpu.dimension_semantics<core_parallel>, #tpu.dimension_semantics<subcore_parallel>], iteration_bounds = array<i64: 2, 16>, scalar_prefetch = 0 : i64, scratch_operands = 3 : i64, tpu.core_type = #tpu.core_type<sc_vector_subcore>, window_params = [{transform_indices = #map}, {transform_indices = #map1}, {transform_indices = #map}]} {
    %mul3A = arith.constant 2 : i32
    %mul3A_0 = arith.muli %arg1, %mul3A : i32
    %add3A = arith.addi %mul3A_0, %arg0 : i32
    %sub3A = arith.constant 2500 : i32
    %sub3A_1 = arith.subi %sub3A, %add3A : i32
    %add3A_2 = arith.constant 32 : i32
    %add3A_3 = arith.addi %sub3A_1, %add3A_2 : i32
    %sub3A_4 = arith.constant 1 : i32
    %sub3A_5 = arith.subi %add3A_3, %sub3A_4 : i32
    %jit3A = arith.constant 32 : i32
    %div3A = arith.divsi %sub3A_5, %jit3A : i32
    %sign3A = arith.constant 0 : i32
    %sign3A_6 = arith.cmpi sgt, %sub3A_5, %sign3A : i32
    %sign3A_7 = arith.extui %sign3A_6 : i1 to i32
    %sign3A_8 = arith.constant 0 : i32
    %sign3A_9 = arith.cmpi slt, %sub3A_5, %sign3A_8 : i32
    %sign3A_10 = arith.extui %sign3A_9 : i1 to i32
    %sign3A_11 = arith.subi %sign3A_7, %sign3A_10 : i32
    %sign3A_12 = arith.constant 0 : i32
    %sign3A_13 = arith.cmpi sgt, %jit3A, %sign3A_12 : i32
    %sign3A_14 = arith.extui %sign3A_13 : i1 to i32
    %sign3A_15 = arith.constant 0 : i32
    %sign3A_16 = arith.cmpi slt, %jit3A, %sign3A_15 : i32
    %sign3A_17 = arith.extui %sign3A_16 : i1 to i32
    %sign3A_18 = arith.subi %sign3A_14, %sign3A_17 : i32
    %ne3A = arith.cmpi ne, %sign3A_11, %sign3A_18 : i32
    %rem3A = arith.remsi %sub3A_5, %jit3A : i32
    %ne3A_19 = arith.constant 0 : i32
    %ne3A_20 = arith.cmpi ne, %rem3A, %ne3A_19 : i32
    %and3A = arith.andi %ne3A, %ne3A_20 : i1
    %sub3A_21 = arith.constant 1 : i32
    %sub3A_22 = arith.subi %div3A, %sub3A_21 : i32
    %select_n3A = arith.select %and3A, %sub3A_22, %div3A : i32
    %mul3A_23 = arith.constant 79 : i32
    %mul3A_24 = arith.muli %add3A, %mul3A_23 : i32
    "tpu.region"() ({
      %run_scoped3A = tpu.sem_alloc : memref<!tpu.dma_semaphore, #tpu.memory_space<semaphore_mem>>
      %dma_start3A_79 = arith.constant 0 : i32
      %dma_start3A_80 = arith.constant 0 : i32
      %dma_start3A_81 = tpu.memref_slice %arg3[%mul3A_24, %dma_start3A_79, %dma_start3A_80] : memref<2528x1x128xi32, #tpu.memory_space<hbm>> -> memref<79x1x128xi32, #tpu.memory_space<hbm>>
      %dma_start3A_82 = arith.constant 0 : i32
      %dma_start3A_83 = arith.constant 0 : i32
      %dma_start3A_84 = tpu.memref_slice %arg3[%mul3A_24, %dma_start3A_82, %dma_start3A_83] : memref<2528x1x128xi32, #tpu.memory_space<hbm>> -> memref<79x1x128xi32, #tpu.memory_space<hbm>>
      tpu.enqueue_dma source(%dma_start3A_84 : memref<79x1x128xi32, #tpu.memory_space<hbm>>) target(%arg5 : memref<79x1x128xi32, #tpu.memory_space<vmem>>) target_semaphore(%run_scoped3A : memref<!tpu.dma_semaphore, #tpu.memory_space<semaphore_mem>>)
      %dma_wait3A = arith.constant 0 : i32
      %dma_wait3A_85 = arith.constant 0 : i32
      %dma_wait3A_86 = tpu.memref_slice %arg3[%mul3A_24, %dma_wait3A, %dma_wait3A_85] : memref<2528x1x128xi32, #tpu.memory_space<hbm>> -> memref<79x1x128xi32, #tpu.memory_space<hbm>>
      %dma_wait3A_87 = arith.constant 0 : i32
      %dma_wait3A_88 = arith.constant 0 : i32
      %dma_wait3A_89 = tpu.memref_slice %arg3[%mul3A_24, %dma_wait3A_87, %dma_wait3A_88] : memref<2528x1x128xi32, #tpu.memory_space<hbm>> -> memref<79x1x128xi32, #tpu.memory_space<hbm>>
      tpu.wait_dma2 semaphore(%run_scoped3A : memref<!tpu.dma_semaphore, #tpu.memory_space<semaphore_mem>>) src(%dma_wait3A_89 : memref<79x1x128xi32, #tpu.memory_space<hbm>>) dst(%arg5 : memref<79x1x128xi32, #tpu.memory_space<vmem>>)
      tpu.yield
    }) : () -> ()
    %dma_start3A = arith.constant 0 : i32
    %dma_start3A_25 = arith.constant 0 : i32
    %dma_start3A_26 = arith.constant 0 : i32
    %dma_start3A_27 = arith.constant 0 : i32
    %dma_start3A_28 = arith.constant 0 : i32
    %dma_start3A_29 = arith.constant 0 : i32
    %dma_start3A_30 = tpu.memref_slice %arg6[%dma_start3A_26, %dma_start3A_28, %dma_start3A_29] : memref<2x128x48xf32, #tpu.memory_space<vmem>> -> memref<1x128x48xf32, #tpu.memory_space<vmem>>
    %dma_start3A_31 = tpu.memref_squeeze %dma_start3A_30 : memref<1x128x48xf32, #tpu.memory_space<vmem>> -> memref<128x48xf32, #tpu.memory_space<vmem>>
    %dma_start3A_32 = arith.constant 0 : i32
    %dma_start3A_33 = arith.constant 0 : i32
    %dma_start3A_34 = tpu.memref_slice %arg5[%dma_start3A, %dma_start3A_32, %dma_start3A_33] : memref<79x1x128xi32, #tpu.memory_space<vmem>> -> memref<1x1x128xi32, #tpu.memory_space<vmem>>
    %dma_start3A_35 = tpu.memref_squeeze %dma_start3A_34 : memref<1x1x128xi32, #tpu.memory_space<vmem>> -> memref<1x128xi32, #tpu.memory_space<vmem>>
    %dma_start3A_36 = arith.constant 0 : i32
    %dma_start3A_37 = tpu.memref_slice %dma_start3A_35[%dma_start3A_25, %dma_start3A_36] : memref<1x128xi32, #tpu.memory_space<vmem>> -> memref<1x128xi32, #tpu.memory_space<vmem>>
    %dma_start3A_38 = tpu.memref_squeeze %dma_start3A_37 : memref<1x128xi32, #tpu.memory_space<vmem>> -> memref<128xi32, #tpu.memory_space<vmem>>
    %dma_start3A_39 = arith.constant 0 : i32
    %dma_start3A_40 = arith.constant 0 : i32
    %dma_start3A_41 = tpu.memref_slice %arg2[%dma_start3A_39, %dma_start3A_40] : memref<160000x48xf32, #tpu.memory_space<hbm>> -> memref<160000x48xf32, #tpu.memory_space<hbm>>
    %dma_start3A_42 = tpu.memref_slice %arg7[%dma_start3A_27] : memref<2x!tpu.dma_semaphore, #tpu.memory_space<semaphore_mem>> -> memref<1x!tpu.dma_semaphore, #tpu.memory_space<semaphore_mem>>
    %dma_start3A_43 = tpu.memref_squeeze %dma_start3A_42 : memref<1x!tpu.dma_semaphore, #tpu.memory_space<semaphore_mem>> -> memref<!tpu.dma_semaphore, #tpu.memory_space<semaphore_mem>>
    tpu.enqueue_indirect_dma source(%dma_start3A_41 : memref<160000x48xf32, #tpu.memory_space<hbm>>) target(%dma_start3A_31 : memref<128x48xf32, #tpu.memory_space<vmem>>) offsets(%dma_start3A_38 : memref<128xi32, #tpu.memory_space<vmem>>) semaphore(%dma_start3A_43 : memref<!tpu.dma_semaphore, #tpu.memory_space<semaphore_mem>>)
    %add3A_44 = arith.constant 1 : i32
    %add3A_45 = arith.addi %select_n3A, %add3A_44 : i32
    %jit3A_46 = arith.constant 2 : i32
    %div3A_47 = arith.divsi %add3A_45, %jit3A_46 : i32
    %sign3A_48 = arith.constant 0 : i32
    %sign3A_49 = arith.cmpi sgt, %add3A_45, %sign3A_48 : i32
    %sign3A_50 = arith.extui %sign3A_49 : i1 to i32
    %sign3A_51 = arith.constant 0 : i32
    %sign3A_52 = arith.cmpi slt, %add3A_45, %sign3A_51 : i32
    %sign3A_53 = arith.extui %sign3A_52 : i1 to i32
    %sign3A_54 = arith.subi %sign3A_50, %sign3A_53 : i32
    %sign3A_55 = arith.constant 0 : i32
    %sign3A_56 = arith.cmpi sgt, %jit3A_46, %sign3A_55 : i32
    %sign3A_57 = arith.extui %sign3A_56 : i1 to i32
    %sign3A_58 = arith.constant 0 : i32
    %sign3A_59 = arith.cmpi slt, %jit3A_46, %sign3A_58 : i32
    %sign3A_60 = arith.extui %sign3A_59 : i1 to i32
    %sign3A_61 = arith.subi %sign3A_57, %sign3A_60 : i32
    %ne3A_62 = arith.cmpi ne, %sign3A_54, %sign3A_61 : i32
    %rem3A_63 = arith.remsi %add3A_45, %jit3A_46 : i32
    %ne3A_64 = arith.constant 0 : i32
    %ne3A_65 = arith.cmpi ne, %rem3A_63, %ne3A_64 : i32
    %and3A_66 = arith.andi %ne3A_62, %ne3A_65 : i1
    %sub3A_67 = arith.constant 1 : i32
    %sub3A_68 = arith.subi %div3A_47, %sub3A_67 : i32
    %select_n3A_69 = arith.select %and3A_66, %sub3A_68, %div3A_47 : i32
    %while3A = arith.constant 0 : i32
    %while3A_70 = arith.constant 0 : i32
    %while3A_71 = arith.subi %select_n3A_69, %while3A_70 : i32
    %while3A_72 = arith.addi %while3A_70, %while3A_71 : i32
    %while3A_73 = arith.constant 1 : i32
    %while3A_74 = arith.divsi %while3A_71, %while3A_73 : i32
    %while3A_75 = arith.muli %while3A_74, %while3A_73 : i32
    %while3A_76 = arith.addi %while3A_70, %while3A_75 : i32
    %while3A_77 = arith.constant 1 : i32
    scf.for %while3A_79 = %while3A_70 to %while3A_76 step %while3A_77  : i32 {
      %mul3A_80 = arith.constant 2 : i32
      %mul3A_81 = arith.muli %mul3A_80, %while3A_79 : i32
      %add3A_82 = arith.constant 1 : i32
      %add3A_83 = arith.addi %mul3A_81, %add3A_82 : i32
      %lt3A = arith.cmpi slt, %add3A_83, %select_n3A : i32
      %convert_element_type3A = arith.extui %lt3A : i1 to i32
      %cond3A = arith.constant 0 : i32
      %cond3A_84 = arith.cmpi ne, %convert_element_type3A, %cond3A : i32
      scf.if %cond3A_84 {
        %dma_start3A_112 = arith.constant 0 : i32
        %dma_start3A_113 = arith.constant 1 : i32
        %dma_start3A_114 = arith.constant 1 : i32
        %dma_start3A_115 = arith.constant 0 : i32
        %dma_start3A_116 = arith.constant 0 : i32
        %dma_start3A_117 = tpu.memref_slice %arg6[%dma_start3A_113, %dma_start3A_115, %dma_start3A_116] : memref<2x128x48xf32, #tpu.memory_space<vmem>> -> memref<1x128x48xf32, #tpu.memory_space<vmem>>
        %dma_start3A_118 = tpu.memref_squeeze %dma_start3A_117 : memref<1x128x48xf32, #tpu.memory_space<vmem>> -> memref<128x48xf32, #tpu.memory_space<vmem>>
        %dma_start3A_119 = arith.constant 0 : i32
        %dma_start3A_120 = arith.constant 0 : i32
        %dma_start3A_121 = tpu.memref_slice %arg5[%add3A_83, %dma_start3A_119, %dma_start3A_120] : memref<79x1x128xi32, #tpu.memory_space<vmem>> -> memref<1x1x128xi32, #tpu.memory_space<vmem>>
        %dma_start3A_122 = tpu.memref_squeeze %dma_start3A_121 : memref<1x1x128xi32, #tpu.memory_space<vmem>> -> memref<1x128xi32, #tpu.memory_space<vmem>>
        %dma_start3A_123 = arith.constant 0 : i32
        %dma_start3A_124 = tpu.memref_slice %dma_start3A_122[%dma_start3A_112, %dma_start3A_123] : memref<1x128xi32, #tpu.memory_space<vmem>> -> memref<1x128xi32, #tpu.memory_space<vmem>>
        %dma_start3A_125 = tpu.memref_squeeze %dma_start3A_124 : memref<1x128xi32, #tpu.memory_space<vmem>> -> memref<128xi32, #tpu.memory_space<vmem>>
        %dma_start3A_126 = arith.constant 0 : i32
        %dma_start3A_127 = arith.constant 0 : i32
        %dma_start3A_128 = tpu.memref_slice %arg2[%dma_start3A_126, %dma_start3A_127] : memref<160000x48xf32, #tpu.memory_space<hbm>> -> memref<160000x48xf32, #tpu.memory_space<hbm>>
        %dma_start3A_129 = tpu.memref_slice %arg7[%dma_start3A_114] : memref<2x!tpu.dma_semaphore, #tpu.memory_space<semaphore_mem>> -> memref<1x!tpu.dma_semaphore, #tpu.memory_space<semaphore_mem>>
        %dma_start3A_130 = tpu.memref_squeeze %dma_start3A_129 : memref<1x!tpu.dma_semaphore, #tpu.memory_space<semaphore_mem>> -> memref<!tpu.dma_semaphore, #tpu.memory_space<semaphore_mem>>
        tpu.enqueue_indirect_dma source(%dma_start3A_128 : memref<160000x48xf32, #tpu.memory_space<hbm>>) target(%dma_start3A_118 : memref<128x48xf32, #tpu.memory_space<vmem>>) offsets(%dma_start3A_125 : memref<128xi32, #tpu.memory_space<vmem>>) semaphore(%dma_start3A_130 : memref<!tpu.dma_semaphore, #tpu.memory_space<semaphore_mem>>)
      } else {
      }
      %dma_wait3A = arith.constant 0 : i32
      %dma_wait3A_85 = arith.constant 0 : i32
      %dma_wait3A_86 = arith.constant 0 : i32
      %dma_wait3A_87 = arith.constant 0 : i32
      %dma_wait3A_88 = arith.constant 0 : i32
      %dma_wait3A_89 = tpu.memref_slice %arg6[%dma_wait3A_85, %dma_wait3A_87, %dma_wait3A_88] : memref<2x128x48xf32, #tpu.memory_space<vmem>> -> memref<1x128x48xf32, #tpu.memory_space<vmem>>
      %dma_wait3A_90 = tpu.memref_squeeze %dma_wait3A_89 : memref<1x128x48xf32, #tpu.memory_space<vmem>> -> memref<128x48xf32, #tpu.memory_space<vmem>>
      %dma_wait3A_91 = arith.constant 0 : i32
      %dma_wait3A_92 = arith.constant 0 : i32
      %dma_wait3A_93 = tpu.memref_slice %arg5[%mul3A_81, %dma_wait3A_91, %dma_wait3A_92] : memref<79x1x128xi32, #tpu.memory_space<vmem>> -> memref<1x1x128xi32, #tpu.memory_space<vmem>>
      %dma_wait3A_94 = tpu.memref_squeeze %dma_wait3A_93 : memref<1x1x128xi32, #tpu.memory_space<vmem>> -> memref<1x128xi32, #tpu.memory_space<vmem>>
      %dma_wait3A_95 = arith.constant 0 : i32
      %dma_wait3A_96 = tpu.memref_slice %dma_wait3A_94[%dma_wait3A, %dma_wait3A_95] : memref<1x128xi32, #tpu.memory_space<vmem>> -> memref<1x128xi32, #tpu.memory_space<vmem>>
      %dma_wait3A_97 = tpu.memref_squeeze %dma_wait3A_96 : memref<1x128xi32, #tpu.memory_space<vmem>> -> memref<128xi32, #tpu.memory_space<vmem>>
      %dma_wait3A_98 = arith.constant 0 : i32
      %dma_wait3A_99 = arith.constant 0 : i32
      %dma_wait3A_100 = tpu.memref_slice %arg2[%dma_wait3A_98, %dma_wait3A_99] : memref<160000x48xf32, #tpu.memory_space<hbm>> -> memref<160000x48xf32, #tpu.memory_space<hbm>>
      %dma_wait3A_101 = tpu.memref_slice %arg7[%dma_wait3A_86] : memref<2x!tpu.dma_semaphore, #tpu.memory_space<semaphore_mem>> -> memref<1x!tpu.dma_semaphore, #tpu.memory_space<semaphore_mem>>
      %dma_wait3A_102 = tpu.memref_squeeze %dma_wait3A_101 : memref<1x!tpu.dma_semaphore, #tpu.memory_space<semaphore_mem>> -> memref<!tpu.dma_semaphore, #tpu.memory_space<semaphore_mem>>
      tpu.wait_indirect_dma semaphore(%dma_wait3A_102 : memref<!tpu.dma_semaphore, #tpu.memory_space<semaphore_mem>>) src(%dma_wait3A_100 : memref<160000x48xf32, #tpu.memory_space<hbm>>) dst(%dma_wait3A_90 : memref<128x48xf32, #tpu.memory_space<vmem>>)
      %mul3A_103 = arith.constant 32 : i32
      %mul3A_104 = arith.muli %mul3A_81, %mul3A_103 : i32
      %add3A_105 = arith.addi %add3A, %mul3A_104 : i32
      %mul3A_106 = arith.constant 128 : i32
      %mul3A_107 = arith.muli %add3A_105, %mul3A_106 : i32
      %run_scoped3A = arith.constant 0 : i32
      "tpu.region"() ({
        %run_scoped3A_112 = tpu.sem_alloc : memref<!tpu.dma_semaphore, #tpu.memory_space<semaphore_mem>>
        %dma_start3A_113 = arith.constant 0 : i32
        %dma_start3A_114 = arith.constant 0 : i32
        %dma_start3A_115 = tpu.memref_slice %arg6[%run_scoped3A, %dma_start3A_113, %dma_start3A_114] : memref<2x128x48xf32, #tpu.memory_space<vmem>> -> memref<1x128x48xf32, #tpu.memory_space<vmem>>
        %dma_start3A_116 = tpu.memref_squeeze %dma_start3A_115 : memref<1x128x48xf32, #tpu.memory_space<vmem>> -> memref<128x48xf32, #tpu.memory_space<vmem>>
        %dma_start3A_117 = arith.constant 0 : i32
        %dma_start3A_118 = tpu.memref_slice %arg4[%mul3A_107, %dma_start3A_117] : memref<320000x48xf32, #tpu.memory_space<hbm>> -> memref<128x48xf32, #tpu.memory_space<hbm>>
        %dma_start3A_119 = arith.constant 0 : i32
        %dma_start3A_120 = tpu.memref_slice %arg4[%mul3A_107, %dma_start3A_119] : memref<320000x48xf32, #tpu.memory_space<hbm>> -> memref<128x48xf32, #tpu.memory_space<hbm>>
        %dma_start3A_121 = arith.constant 0 : i32
        %dma_start3A_122 = arith.constant 0 : i32
        %dma_start3A_123 = tpu.memref_slice %arg6[%run_scoped3A, %dma_start3A_121, %dma_start3A_122] : memref<2x128x48xf32, #tpu.memory_space<vmem>> -> memref<1x128x48xf32, #tpu.memory_space<vmem>>
        %dma_start3A_124 = tpu.memref_squeeze %dma_start3A_123 : memref<1x128x48xf32, #tpu.memory_space<vmem>> -> memref<128x48xf32, #tpu.memory_space<vmem>>
        tpu.enqueue_dma source(%dma_start3A_124 : memref<128x48xf32, #tpu.memory_space<vmem>>) target(%dma_start3A_120 : memref<128x48xf32, #tpu.memory_space<hbm>>) target_semaphore(%run_scoped3A_112 : memref<!tpu.dma_semaphore, #tpu.memory_space<semaphore_mem>>)
        %dma_wait3A_125 = arith.constant 0 : i32
        %dma_wait3A_126 = arith.constant 0 : i32
        %dma_wait3A_127 = tpu.memref_slice %arg6[%run_scoped3A, %dma_wait3A_125, %dma_wait3A_126] : memref<2x128x48xf32, #tpu.memory_space<vmem>> -> memref<1x128x48xf32, #tpu.memory_space<vmem>>
        %dma_wait3A_128 = tpu.memref_squeeze %dma_wait3A_127 : memref<1x128x48xf32, #tpu.memory_space<vmem>> -> memref<128x48xf32, #tpu.memory_space<vmem>>
        %dma_wait3A_129 = arith.constant 0 : i32
        %dma_wait3A_130 = tpu.memref_slice %arg4[%mul3A_107, %dma_wait3A_129] : memref<320000x48xf32, #tpu.memory_space<hbm>> -> memref<128x48xf32, #tpu.memory_space<hbm>>
        %dma_wait3A_131 = arith.constant 0 : i32
        %dma_wait3A_132 = tpu.memref_slice %arg4[%mul3A_107, %dma_wait3A_131] : memref<320000x48xf32, #tpu.memory_space<hbm>> -> memref<128x48xf32, #tpu.memory_space<hbm>>
        %dma_wait3A_133 = arith.constant 0 : i32
        %dma_wait3A_134 = arith.constant 0 : i32
        %dma_wait3A_135 = tpu.memref_slice %arg6[%run_scoped3A, %dma_wait3A_133, %dma_wait3A_134] : memref<2x128x48xf32, #tpu.memory_space<vmem>> -> memref<1x128x48xf32, #tpu.memory_space<vmem>>
        %dma_wait3A_136 = tpu.memref_squeeze %dma_wait3A_135 : memref<1x128x48xf32, #tpu.memory_space<vmem>> -> memref<128x48xf32, #tpu.memory_space<vmem>>
        tpu.wait_dma2 semaphore(%run_scoped3A_112 : memref<!tpu.dma_semaphore, #tpu.memory_space<semaphore_mem>>) src(%dma_wait3A_136 : memref<128x48xf32, #tpu.memory_space<vmem>>) dst(%dma_wait3A_132 : memref<128x48xf32, #tpu.memory_space<hbm>>)
        tpu.yield
      }) : () -> ()
      %lt3A_108 = arith.cmpi slt, %add3A_83, %select_n3A : i32
      %convert_element_type3A_109 = arith.extui %lt3A_108 : i1 to i32
      %cond3A_110 = arith.constant 0 : i32
      %cond3A_111 = arith.cmpi ne, %convert_element_type3A_109, %cond3A_110 : i32
      scf.if %cond3A_111 {
        %add3A_112 = arith.constant 1 : i32
        %add3A_113 = arith.addi %add3A_83, %add3A_112 : i32
        %lt3A_114 = arith.cmpi slt, %add3A_113, %select_n3A : i32
        %convert_element_type3A_115 = arith.extui %lt3A_114 : i1 to i32
        %cond3A_116 = arith.constant 0 : i32
        %cond3A_117 = arith.cmpi ne, %convert_element_type3A_115, %cond3A_116 : i32
        scf.if %cond3A_117 {
          %add3A_143 = arith.constant 1 : i32
          %add3A_144 = arith.addi %add3A_83, %add3A_143 : i32
          %dma_start3A_145 = arith.constant 0 : i32
          %dma_start3A_146 = arith.constant 0 : i32
          %dma_start3A_147 = arith.constant 0 : i32
          %dma_start3A_148 = arith.constant 0 : i32
          %dma_start3A_149 = arith.constant 0 : i32
          %dma_start3A_150 = tpu.memref_slice %arg6[%dma_start3A_146, %dma_start3A_148, %dma_start3A_149] : memref<2x128x48xf32, #tpu.memory_space<vmem>> -> memref<1x128x48xf32, #tpu.memory_space<vmem>>
          %dma_start3A_151 = tpu.memref_squeeze %dma_start3A_150 : memref<1x128x48xf32, #tpu.memory_space<vmem>> -> memref<128x48xf32, #tpu.memory_space<vmem>>
          %dma_start3A_152 = arith.constant 0 : i32
          %dma_start3A_153 = arith.constant 0 : i32
          %dma_start3A_154 = tpu.memref_slice %arg5[%add3A_144, %dma_start3A_152, %dma_start3A_153] : memref<79x1x128xi32, #tpu.memory_space<vmem>> -> memref<1x1x128xi32, #tpu.memory_space<vmem>>
          %dma_start3A_155 = tpu.memref_squeeze %dma_start3A_154 : memref<1x1x128xi32, #tpu.memory_space<vmem>> -> memref<1x128xi32, #tpu.memory_space<vmem>>
          %dma_start3A_156 = arith.constant 0 : i32
          %dma_start3A_157 = tpu.memref_slice %dma_start3A_155[%dma_start3A_145, %dma_start3A_156] : memref<1x128xi32, #tpu.memory_space<vmem>> -> memref<1x128xi32, #tpu.memory_space<vmem>>
          %dma_start3A_158 = tpu.memref_squeeze %dma_start3A_157 : memref<1x128xi32, #tpu.memory_space<vmem>> -> memref<128xi32, #tpu.memory_space<vmem>>
          %dma_start3A_159 = arith.constant 0 : i32
          %dma_start3A_160 = arith.constant 0 : i32
          %dma_start3A_161 = tpu.memref_slice %arg2[%dma_start3A_159, %dma_start3A_160] : memref<160000x48xf32, #tpu.memory_space<hbm>> -> memref<160000x48xf32, #tpu.memory_space<hbm>>
          %dma_start3A_162 = tpu.memref_slice %arg7[%dma_start3A_147] : memref<2x!tpu.dma_semaphore, #tpu.memory_space<semaphore_mem>> -> memref<1x!tpu.dma_semaphore, #tpu.memory_space<semaphore_mem>>
          %dma_start3A_163 = tpu.memref_squeeze %dma_start3A_162 : memref<1x!tpu.dma_semaphore, #tpu.memory_space<semaphore_mem>> -> memref<!tpu.dma_semaphore, #tpu.memory_space<semaphore_mem>>
          tpu.enqueue_indirect_dma source(%dma_start3A_161 : memref<160000x48xf32, #tpu.memory_space<hbm>>) target(%dma_start3A_151 : memref<128x48xf32, #tpu.memory_space<vmem>>) offsets(%dma_start3A_158 : memref<128xi32, #tpu.memory_space<vmem>>) semaphore(%dma_start3A_163 : memref<!tpu.dma_semaphore, #tpu.memory_space<semaphore_mem>>)
        } else {
        }
        %dma_wait3A_118 = arith.constant 0 : i32
        %dma_wait3A_119 = arith.constant 1 : i32
        %dma_wait3A_120 = arith.constant 1 : i32
        %dma_wait3A_121 = arith.constant 0 : i32
        %dma_wait3A_122 = arith.constant 0 : i32
        %dma_wait3A_123 = tpu.memref_slice %arg6[%dma_wait3A_119, %dma_wait3A_121, %dma_wait3A_122] : memref<2x128x48xf32, #tpu.memory_space<vmem>> -> memref<1x128x48xf32, #tpu.memory_space<vmem>>
        %dma_wait3A_124 = tpu.memref_squeeze %dma_wait3A_123 : memref<1x128x48xf32, #tpu.memory_space<vmem>> -> memref<128x48xf32, #tpu.memory_space<vmem>>
        %dma_wait3A_125 = arith.constant 0 : i32
        %dma_wait3A_126 = arith.constant 0 : i32
        %dma_wait3A_127 = tpu.memref_slice %arg5[%add3A_83, %dma_wait3A_125, %dma_wait3A_126] : memref<79x1x128xi32, #tpu.memory_space<vmem>> -> memref<1x1x128xi32, #tpu.memory_space<vmem>>
        %dma_wait3A_128 = tpu.memref_squeeze %dma_wait3A_127 : memref<1x1x128xi32, #tpu.memory_space<vmem>> -> memref<1x128xi32, #tpu.memory_space<vmem>>
        %dma_wait3A_129 = arith.constant 0 : i32
        %dma_wait3A_130 = tpu.memref_slice %dma_wait3A_128[%dma_wait3A_118, %dma_wait3A_129] : memref<1x128xi32, #tpu.memory_space<vmem>> -> memref<1x128xi32, #tpu.memory_space<vmem>>
        %dma_wait3A_131 = tpu.memref_squeeze %dma_wait3A_130 : memref<1x128xi32, #tpu.memory_space<vmem>> -> memref<128xi32, #tpu.memory_space<vmem>>
        %dma_wait3A_132 = arith.constant 0 : i32
        %dma_wait3A_133 = arith.constant 0 : i32
        %dma_wait3A_134 = tpu.memref_slice %arg2[%dma_wait3A_132, %dma_wait3A_133] : memref<160000x48xf32, #tpu.memory_space<hbm>> -> memref<160000x48xf32, #tpu.memory_space<hbm>>
        %dma_wait3A_135 = tpu.memref_slice %arg7[%dma_wait3A_120] : memref<2x!tpu.dma_semaphore, #tpu.memory_space<semaphore_mem>> -> memref<1x!tpu.dma_semaphore, #tpu.memory_space<semaphore_mem>>
        %dma_wait3A_136 = tpu.memref_squeeze %dma_wait3A_135 : memref<1x!tpu.dma_semaphore, #tpu.memory_space<semaphore_mem>> -> memref<!tpu.dma_semaphore, #tpu.memory_space<semaphore_mem>>
        tpu.wait_indirect_dma semaphore(%dma_wait3A_136 : memref<!tpu.dma_semaphore, #tpu.memory_space<semaphore_mem>>) src(%dma_wait3A_134 : memref<160000x48xf32, #tpu.memory_space<hbm>>) dst(%dma_wait3A_124 : memref<128x48xf32, #tpu.memory_space<vmem>>)
        %mul3A_137 = arith.constant 32 : i32
        %mul3A_138 = arith.muli %add3A_83, %mul3A_137 : i32
        %add3A_139 = arith.addi %add3A, %mul3A_138 : i32
        %mul3A_140 = arith.constant 128 : i32
        %mul3A_141 = arith.muli %add3A_139, %mul3A_140 : i32
        %run_scoped3A_142 = arith.constant 1 : i32
        "tpu.region"() ({
          %run_scoped3A_143 = tpu.sem_alloc : memref<!tpu.dma_semaphore, #tpu.memory_space<semaphore_mem>>
          %dma_start3A_144 = arith.constant 0 : i32
          %dma_start3A_145 = arith.constant 0 : i32
          %dma_start3A_146 = tpu.memref_slice %arg6[%run_scoped3A_142, %dma_start3A_144, %dma_start3A_145] : memref<2x128x48xf32, #tpu.memory_space<vmem>> -> memref<1x128x48xf32, #tpu.memory_space<vmem>>
          %dma_start3A_147 = tpu.memref_squeeze %dma_start3A_146 : memref<1x128x48xf32, #tpu.memory_space<vmem>> -> memref<128x48xf32, #tpu.memory_space<vmem>>
          %dma_start3A_148 = arith.constant 0 : i32
          %dma_start3A_149 = tpu.memref_slice %arg4[%mul3A_141, %dma_start3A_148] : memref<320000x48xf32, #tpu.memory_space<hbm>> -> memref<128x48xf32, #tpu.memory_space<hbm>>
          %dma_start3A_150 = arith.constant 0 : i32
          %dma_start3A_151 = tpu.memref_slice %arg4[%mul3A_141, %dma_start3A_150] : memref<320000x48xf32, #tpu.memory_space<hbm>> -> memref<128x48xf32, #tpu.memory_space<hbm>>
          %dma_start3A_152 = arith.constant 0 : i32
          %dma_start3A_153 = arith.constant 0 : i32
          %dma_start3A_154 = tpu.memref_slice %arg6[%run_scoped3A_142, %dma_start3A_152, %dma_start3A_153] : memref<2x128x48xf32, #tpu.memory_space<vmem>> -> memref<1x128x48xf32, #tpu.memory_space<vmem>>
          %dma_start3A_155 = tpu.memref_squeeze %dma_start3A_154 : memref<1x128x48xf32, #tpu.memory_space<vmem>> -> memref<128x48xf32, #tpu.memory_space<vmem>>
          tpu.enqueue_dma source(%dma_start3A_155 : memref<128x48xf32, #tpu.memory_space<vmem>>) target(%dma_start3A_151 : memref<128x48xf32, #tpu.memory_space<hbm>>) target_semaphore(%run_scoped3A_143 : memref<!tpu.dma_semaphore, #tpu.memory_space<semaphore_mem>>)
          %dma_wait3A_156 = arith.constant 0 : i32
          %dma_wait3A_157 = arith.constant 0 : i32
          %dma_wait3A_158 = tpu.memref_slice %arg6[%run_scoped3A_142, %dma_wait3A_156, %dma_wait3A_157] : memref<2x128x48xf32, #tpu.memory_space<vmem>> -> memref<1x128x48xf32, #tpu.memory_space<vmem>>
          %dma_wait3A_159 = tpu.memref_squeeze %dma_wait3A_158 : memref<1x128x48xf32, #tpu.memory_space<vmem>> -> memref<128x48xf32, #tpu.memory_space<vmem>>
          %dma_wait3A_160 = arith.constant 0 : i32
          %dma_wait3A_161 = tpu.memref_slice %arg4[%mul3A_141, %dma_wait3A_160] : memref<320000x48xf32, #tpu.memory_space<hbm>> -> memref<128x48xf32, #tpu.memory_space<hbm>>
          %dma_wait3A_162 = arith.constant 0 : i32
          %dma_wait3A_163 = tpu.memref_slice %arg4[%mul3A_141, %dma_wait3A_162] : memref<320000x48xf32, #tpu.memory_space<hbm>> -> memref<128x48xf32, #tpu.memory_space<hbm>>
          %dma_wait3A_164 = arith.constant 0 : i32
          %dma_wait3A_165 = arith.constant 0 : i32
          %dma_wait3A_166 = tpu.memref_slice %arg6[%run_scoped3A_142, %dma_wait3A_164, %dma_wait3A_165] : memref<2x128x48xf32, #tpu.memory_space<vmem>> -> memref<1x128x48xf32, #tpu.memory_space<vmem>>
          %dma_wait3A_167 = tpu.memref_squeeze %dma_wait3A_166 : memref<1x128x48xf32, #tpu.memory_space<vmem>> -> memref<128x48xf32, #tpu.memory_space<vmem>>
          tpu.wait_dma2 semaphore(%run_scoped3A_143 : memref<!tpu.dma_semaphore, #tpu.memory_space<semaphore_mem>>) src(%dma_wait3A_167 : memref<128x48xf32, #tpu.memory_space<vmem>>) dst(%dma_wait3A_163 : memref<128x48xf32, #tpu.memory_space<hbm>>)
          tpu.yield
        }) : () -> ()
      } else {
      }
    }
    %while3A_78 = arith.constant 1 : i32
    scf.for %while3A_79 = %while3A_76 to %while3A_72 step %while3A_78  : i32 {
      %mul3A_80 = arith.constant 2 : i32
      %mul3A_81 = arith.muli %mul3A_80, %while3A_79 : i32
      %add3A_82 = arith.constant 1 : i32
      %add3A_83 = arith.addi %mul3A_81, %add3A_82 : i32
      %lt3A = arith.cmpi slt, %add3A_83, %select_n3A : i32
      %convert_element_type3A = arith.extui %lt3A : i1 to i32
      %cond3A = arith.constant 0 : i32
      %cond3A_84 = arith.cmpi ne, %convert_element_type3A, %cond3A : i32
      scf.if %cond3A_84 {
        %dma_start3A_112 = arith.constant 0 : i32
        %dma_start3A_113 = arith.constant 1 : i32
        %dma_start3A_114 = arith.constant 1 : i32
        %dma_start3A_115 = arith.constant 0 : i32
        %dma_start3A_116 = arith.constant 0 : i32
        %dma_start3A_117 = tpu.memref_slice %arg6[%dma_start3A_113, %dma_start3A_115, %dma_start3A_116] : memref<2x128x48xf32, #tpu.memory_space<vmem>> -> memref<1x128x48xf32, #tpu.memory_space<vmem>>
        %dma_start3A_118 = tpu.memref_squeeze %dma_start3A_117 : memref<1x128x48xf32, #tpu.memory_space<vmem>> -> memref<128x48xf32, #tpu.memory_space<vmem>>
        %dma_start3A_119 = arith.constant 0 : i32
        %dma_start3A_120 = arith.constant 0 : i32
        %dma_start3A_121 = tpu.memref_slice %arg5[%add3A_83, %dma_start3A_119, %dma_start3A_120] : memref<79x1x128xi32, #tpu.memory_space<vmem>> -> memref<1x1x128xi32, #tpu.memory_space<vmem>>
        %dma_start3A_122 = tpu.memref_squeeze %dma_start3A_121 : memref<1x1x128xi32, #tpu.memory_space<vmem>> -> memref<1x128xi32, #tpu.memory_space<vmem>>
        %dma_start3A_123 = arith.constant 0 : i32
        %dma_start3A_124 = tpu.memref_slice %dma_start3A_122[%dma_start3A_112, %dma_start3A_123] : memref<1x128xi32, #tpu.memory_space<vmem>> -> memref<1x128xi32, #tpu.memory_space<vmem>>
        %dma_start3A_125 = tpu.memref_squeeze %dma_start3A_124 : memref<1x128xi32, #tpu.memory_space<vmem>> -> memref<128xi32, #tpu.memory_space<vmem>>
        %dma_start3A_126 = arith.constant 0 : i32
        %dma_start3A_127 = arith.constant 0 : i32
        %dma_start3A_128 = tpu.memref_slice %arg2[%dma_start3A_126, %dma_start3A_127] : memref<160000x48xf32, #tpu.memory_space<hbm>> -> memref<160000x48xf32, #tpu.memory_space<hbm>>
        %dma_start3A_129 = tpu.memref_slice %arg7[%dma_start3A_114] : memref<2x!tpu.dma_semaphore, #tpu.memory_space<semaphore_mem>> -> memref<1x!tpu.dma_semaphore, #tpu.memory_space<semaphore_mem>>
        %dma_start3A_130 = tpu.memref_squeeze %dma_start3A_129 : memref<1x!tpu.dma_semaphore, #tpu.memory_space<semaphore_mem>> -> memref<!tpu.dma_semaphore, #tpu.memory_space<semaphore_mem>>
        tpu.enqueue_indirect_dma source(%dma_start3A_128 : memref<160000x48xf32, #tpu.memory_space<hbm>>) target(%dma_start3A_118 : memref<128x48xf32, #tpu.memory_space<vmem>>) offsets(%dma_start3A_125 : memref<128xi32, #tpu.memory_space<vmem>>) semaphore(%dma_start3A_130 : memref<!tpu.dma_semaphore, #tpu.memory_space<semaphore_mem>>)
      } else {
      }
      %dma_wait3A = arith.constant 0 : i32
      %dma_wait3A_85 = arith.constant 0 : i32
      %dma_wait3A_86 = arith.constant 0 : i32
      %dma_wait3A_87 = arith.constant 0 : i32
      %dma_wait3A_88 = arith.constant 0 : i32
      %dma_wait3A_89 = tpu.memref_slice %arg6[%dma_wait3A_85, %dma_wait3A_87, %dma_wait3A_88] : memref<2x128x48xf32, #tpu.memory_space<vmem>> -> memref<1x128x48xf32, #tpu.memory_space<vmem>>
      %dma_wait3A_90 = tpu.memref_squeeze %dma_wait3A_89 : memref<1x128x48xf32, #tpu.memory_space<vmem>> -> memref<128x48xf32, #tpu.memory_space<vmem>>
      %dma_wait3A_91 = arith.constant 0 : i32
      %dma_wait3A_92 = arith.constant 0 : i32
      %dma_wait3A_93 = tpu.memref_slice %arg5[%mul3A_81, %dma_wait3A_91, %dma_wait3A_92] : memref<79x1x128xi32, #tpu.memory_space<vmem>> -> memref<1x1x128xi32, #tpu.memory_space<vmem>>
      %dma_wait3A_94 = tpu.memref_squeeze %dma_wait3A_93 : memref<1x1x128xi32, #tpu.memory_space<vmem>> -> memref<1x128xi32, #tpu.memory_space<vmem>>
      %dma_wait3A_95 = arith.constant 0 : i32
      %dma_wait3A_96 = tpu.memref_slice %dma_wait3A_94[%dma_wait3A, %dma_wait3A_95] : memref<1x128xi32, #tpu.memory_space<vmem>> -> memref<1x128xi32, #tpu.memory_space<vmem>>
      %dma_wait3A_97 = tpu.memref_squeeze %dma_wait3A_96 : memref<1x128xi32, #tpu.memory_space<vmem>> -> memref<128xi32, #tpu.memory_space<vmem>>
      %dma_wait3A_98 = arith.constant 0 : i32
      %dma_wait3A_99 = arith.constant 0 : i32
      %dma_wait3A_100 = tpu.memref_slice %arg2[%dma_wait3A_98, %dma_wait3A_99] : memref<160000x48xf32, #tpu.memory_space<hbm>> -> memref<160000x48xf32, #tpu.memory_space<hbm>>
      %dma_wait3A_101 = tpu.memref_slice %arg7[%dma_wait3A_86] : memref<2x!tpu.dma_semaphore, #tpu.memory_space<semaphore_mem>> -> memref<1x!tpu.dma_semaphore, #tpu.memory_space<semaphore_mem>>
      %dma_wait3A_102 = tpu.memref_squeeze %dma_wait3A_101 : memref<1x!tpu.dma_semaphore, #tpu.memory_space<semaphore_mem>> -> memref<!tpu.dma_semaphore, #tpu.memory_space<semaphore_mem>>
      tpu.wait_indirect_dma semaphore(%dma_wait3A_102 : memref<!tpu.dma_semaphore, #tpu.memory_space<semaphore_mem>>) src(%dma_wait3A_100 : memref<160000x48xf32, #tpu.memory_space<hbm>>) dst(%dma_wait3A_90 : memref<128x48xf32, #tpu.memory_space<vmem>>)
      %mul3A_103 = arith.constant 32 : i32
      %mul3A_104 = arith.muli %mul3A_81, %mul3A_103 : i32
      %add3A_105 = arith.addi %add3A, %mul3A_104 : i32
      %mul3A_106 = arith.constant 128 : i32
      %mul3A_107 = arith.muli %add3A_105, %mul3A_106 : i32
      %run_scoped3A = arith.constant 0 : i32
      "tpu.region"() ({
        %run_scoped3A_112 = tpu.sem_alloc : memref<!tpu.dma_semaphore, #tpu.memory_space<semaphore_mem>>
        %dma_start3A_113 = arith.constant 0 : i32
        %dma_start3A_114 = arith.constant 0 : i32
        %dma_start3A_115 = tpu.memref_slice %arg6[%run_scoped3A, %dma_start3A_113, %dma_start3A_114] : memref<2x128x48xf32, #tpu.memory_space<vmem>> -> memref<1x128x48xf32, #tpu.memory_space<vmem>>
        %dma_start3A_116 = tpu.memref_squeeze %dma_start3A_115 : memref<1x128x48xf32, #tpu.memory_space<vmem>> -> memref<128x48xf32, #tpu.memory_space<vmem>>
        %dma_start3A_117 = arith.constant 0 : i32
        %dma_start3A_118 = tpu.memref_slice %arg4[%mul3A_107, %dma_start3A_117] : memref<320000x48xf32, #tpu.memory_space<hbm>> -> memref<128x48xf32, #tpu.memory_space<hbm>>
        %dma_start3A_119 = arith.constant 0 : i32
        %dma_start3A_120 = tpu.memref_slice %arg4[%mul3A_107, %dma_start3A_119] : memref<320000x48xf32, #tpu.memory_space<hbm>> -> memref<128x48xf32, #tpu.memory_space<hbm>>
        %dma_start3A_121 = arith.constant 0 : i32
        %dma_start3A_122 = arith.constant 0 : i32
        %dma_start3A_123 = tpu.memref_slice %arg6[%run_scoped3A, %dma_start3A_121, %dma_start3A_122] : memref<2x128x48xf32, #tpu.memory_space<vmem>> -> memref<1x128x48xf32, #tpu.memory_space<vmem>>
        %dma_start3A_124 = tpu.memref_squeeze %dma_start3A_123 : memref<1x128x48xf32, #tpu.memory_space<vmem>> -> memref<128x48xf32, #tpu.memory_space<vmem>>
        tpu.enqueue_dma source(%dma_start3A_124 : memref<128x48xf32, #tpu.memory_space<vmem>>) target(%dma_start3A_120 : memref<128x48xf32, #tpu.memory_space<hbm>>) target_semaphore(%run_scoped3A_112 : memref<!tpu.dma_semaphore, #tpu.memory_space<semaphore_mem>>)
        %dma_wait3A_125 = arith.constant 0 : i32
        %dma_wait3A_126 = arith.constant 0 : i32
        %dma_wait3A_127 = tpu.memref_slice %arg6[%run_scoped3A, %dma_wait3A_125, %dma_wait3A_126] : memref<2x128x48xf32, #tpu.memory_space<vmem>> -> memref<1x128x48xf32, #tpu.memory_space<vmem>>
        %dma_wait3A_128 = tpu.memref_squeeze %dma_wait3A_127 : memref<1x128x48xf32, #tpu.memory_space<vmem>> -> memref<128x48xf32, #tpu.memory_space<vmem>>
        %dma_wait3A_129 = arith.constant 0 : i32
        %dma_wait3A_130 = tpu.memref_slice %arg4[%mul3A_107, %dma_wait3A_129] : memref<320000x48xf32, #tpu.memory_space<hbm>> -> memref<128x48xf32, #tpu.memory_space<hbm>>
        %dma_wait3A_131 = arith.constant 0 : i32
        %dma_wait3A_132 = tpu.memref_slice %arg4[%mul3A_107, %dma_wait3A_131] : memref<320000x48xf32, #tpu.memory_space<hbm>> -> memref<128x48xf32, #tpu.memory_space<hbm>>
        %dma_wait3A_133 = arith.constant 0 : i32
        %dma_wait3A_134 = arith.constant 0 : i32
        %dma_wait3A_135 = tpu.memref_slice %arg6[%run_scoped3A, %dma_wait3A_133, %dma_wait3A_134] : memref<2x128x48xf32, #tpu.memory_space<vmem>> -> memref<1x128x48xf32, #tpu.memory_space<vmem>>
        %dma_wait3A_136 = tpu.memref_squeeze %dma_wait3A_135 : memref<1x128x48xf32, #tpu.memory_space<vmem>> -> memref<128x48xf32, #tpu.memory_space<vmem>>
        tpu.wait_dma2 semaphore(%run_scoped3A_112 : memref<!tpu.dma_semaphore, #tpu.memory_space<semaphore_mem>>) src(%dma_wait3A_136 : memref<128x48xf32, #tpu.memory_space<vmem>>) dst(%dma_wait3A_132 : memref<128x48xf32, #tpu.memory_space<hbm>>)
        tpu.yield
      }) : () -> ()
      %lt3A_108 = arith.cmpi slt, %add3A_83, %select_n3A : i32
      %convert_element_type3A_109 = arith.extui %lt3A_108 : i1 to i32
      %cond3A_110 = arith.constant 0 : i32
      %cond3A_111 = arith.cmpi ne, %convert_element_type3A_109, %cond3A_110 : i32
      scf.if %cond3A_111 {
        %add3A_112 = arith.constant 1 : i32
        %add3A_113 = arith.addi %add3A_83, %add3A_112 : i32
        %lt3A_114 = arith.cmpi slt, %add3A_113, %select_n3A : i32
        %convert_element_type3A_115 = arith.extui %lt3A_114 : i1 to i32
        %cond3A_116 = arith.constant 0 : i32
        %cond3A_117 = arith.cmpi ne, %convert_element_type3A_115, %cond3A_116 : i32
        scf.if %cond3A_117 {
          %add3A_143 = arith.constant 1 : i32
          %add3A_144 = arith.addi %add3A_83, %add3A_143 : i32
          %dma_start3A_145 = arith.constant 0 : i32
          %dma_start3A_146 = arith.constant 0 : i32
          %dma_start3A_147 = arith.constant 0 : i32
          %dma_start3A_148 = arith.constant 0 : i32
          %dma_start3A_149 = arith.constant 0 : i32
          %dma_start3A_150 = tpu.memref_slice %arg6[%dma_start3A_146, %dma_start3A_148, %dma_start3A_149] : memref<2x128x48xf32, #tpu.memory_space<vmem>> -> memref<1x128x48xf32, #tpu.memory_space<vmem>>
          %dma_start3A_151 = tpu.memref_squeeze %dma_start3A_150 : memref<1x128x48xf32, #tpu.memory_space<vmem>> -> memref<128x48xf32, #tpu.memory_space<vmem>>
          %dma_start3A_152 = arith.constant 0 : i32
          %dma_start3A_153 = arith.constant 0 : i32
          %dma_start3A_154 = tpu.memref_slice %arg5[%add3A_144, %dma_start3A_152, %dma_start3A_153] : memref<79x1x128xi32, #tpu.memory_space<vmem>> -> memref<1x1x128xi32, #tpu.memory_space<vmem>>
          %dma_start3A_155 = tpu.memref_squeeze %dma_start3A_154 : memref<1x1x128xi32, #tpu.memory_space<vmem>> -> memref<1x128xi32, #tpu.memory_space<vmem>>
          %dma_start3A_156 = arith.constant 0 : i32
          %dma_start3A_157 = tpu.memref_slice %dma_start3A_155[%dma_start3A_145, %dma_start3A_156] : memref<1x128xi32, #tpu.memory_space<vmem>> -> memref<1x128xi32, #tpu.memory_space<vmem>>
          %dma_start3A_158 = tpu.memref_squeeze %dma_start3A_157 : memref<1x128xi32, #tpu.memory_space<vmem>> -> memref<128xi32, #tpu.memory_space<vmem>>
          %dma_start3A_159 = arith.constant 0 : i32
          %dma_start3A_160 = arith.constant 0 : i32
          %dma_start3A_161 = tpu.memref_slice %arg2[%dma_start3A_159, %dma_start3A_160] : memref<160000x48xf32, #tpu.memory_space<hbm>> -> memref<160000x48xf32, #tpu.memory_space<hbm>>
          %dma_start3A_162 = tpu.memref_slice %arg7[%dma_start3A_147] : memref<2x!tpu.dma_semaphore, #tpu.memory_space<semaphore_mem>> -> memref<1x!tpu.dma_semaphore, #tpu.memory_space<semaphore_mem>>
          %dma_start3A_163 = tpu.memref_squeeze %dma_start3A_162 : memref<1x!tpu.dma_semaphore, #tpu.memory_space<semaphore_mem>> -> memref<!tpu.dma_semaphore, #tpu.memory_space<semaphore_mem>>
          tpu.enqueue_indirect_dma source(%dma_start3A_161 : memref<160000x48xf32, #tpu.memory_space<hbm>>) target(%dma_start3A_151 : memref<128x48xf32, #tpu.memory_space<vmem>>) offsets(%dma_start3A_158 : memref<128xi32, #tpu.memory_space<vmem>>) semaphore(%dma_start3A_163 : memref<!tpu.dma_semaphore, #tpu.memory_space<semaphore_mem>>)
        } else {
        }
        %dma_wait3A_118 = arith.constant 0 : i32
        %dma_wait3A_119 = arith.constant 1 : i32
        %dma_wait3A_120 = arith.constant 1 : i32
        %dma_wait3A_121 = arith.constant 0 : i32
        %dma_wait3A_122 = arith.constant 0 : i32
        %dma_wait3A_123 = tpu.memref_slice %arg6[%dma_wait3A_119, %dma_wait3A_121, %dma_wait3A_122] : memref<2x128x48xf32, #tpu.memory_space<vmem>> -> memref<1x128x48xf32, #tpu.memory_space<vmem>>
        %dma_wait3A_124 = tpu.memref_squeeze %dma_wait3A_123 : memref<1x128x48xf32, #tpu.memory_space<vmem>> -> memref<128x48xf32, #tpu.memory_space<vmem>>
        %dma_wait3A_125 = arith.constant 0 : i32
        %dma_wait3A_126 = arith.constant 0 : i32
        %dma_wait3A_127 = tpu.memref_slice %arg5[%add3A_83, %dma_wait3A_125, %dma_wait3A_126] : memref<79x1x128xi32, #tpu.memory_space<vmem>> -> memref<1x1x128xi32, #tpu.memory_space<vmem>>
        %dma_wait3A_128 = tpu.memref_squeeze %dma_wait3A_127 : memref<1x1x128xi32, #tpu.memory_space<vmem>> -> memref<1x128xi32, #tpu.memory_space<vmem>>
        %dma_wait3A_129 = arith.constant 0 : i32
        %dma_wait3A_130 = tpu.memref_slice %dma_wait3A_128[%dma_wait3A_118, %dma_wait3A_129] : memref<1x128xi32, #tpu.memory_space<vmem>> -> memref<1x128xi32, #tpu.memory_space<vmem>>
        %dma_wait3A_131 = tpu.memref_squeeze %dma_wait3A_130 : memref<1x128xi32, #tpu.memory_space<vmem>> -> memref<128xi32, #tpu.memory_space<vmem>>
        %dma_wait3A_132 = arith.constant 0 : i32
        %dma_wait3A_133 = arith.constant 0 : i32
        %dma_wait3A_134 = tpu.memref_slice %arg2[%dma_wait3A_132, %dma_wait3A_133] : memref<160000x48xf32, #tpu.memory_space<hbm>> -> memref<160000x48xf32, #tpu.memory_space<hbm>>
        %dma_wait3A_135 = tpu.memref_slice %arg7[%dma_wait3A_120] : memref<2x!tpu.dma_semaphore, #tpu.memory_space<semaphore_mem>> -> memref<1x!tpu.dma_semaphore, #tpu.memory_space<semaphore_mem>>
        %dma_wait3A_136 = tpu.memref_squeeze %dma_wait3A_135 : memref<1x!tpu.dma_semaphore, #tpu.memory_space<semaphore_mem>> -> memref<!tpu.dma_semaphore, #tpu.memory_space<semaphore_mem>>
        tpu.wait_indirect_dma semaphore(%dma_wait3A_136 : memref<!tpu.dma_semaphore, #tpu.memory_space<semaphore_mem>>) src(%dma_wait3A_134 : memref<160000x48xf32, #tpu.memory_space<hbm>>) dst(%dma_wait3A_124 : memref<128x48xf32, #tpu.memory_space<vmem>>)
        %mul3A_137 = arith.constant 32 : i32
        %mul3A_138 = arith.muli %add3A_83, %mul3A_137 : i32
        %add3A_139 = arith.addi %add3A, %mul3A_138 : i32
        %mul3A_140 = arith.constant 128 : i32
        %mul3A_141 = arith.muli %add3A_139, %mul3A_140 : i32
        %run_scoped3A_142 = arith.constant 1 : i32
        "tpu.region"() ({
          %run_scoped3A_143 = tpu.sem_alloc : memref<!tpu.dma_semaphore, #tpu.memory_space<semaphore_mem>>
          %dma_start3A_144 = arith.constant 0 : i32
          %dma_start3A_145 = arith.constant 0 : i32
          %dma_start3A_146 = tpu.memref_slice %arg6[%run_scoped3A_142, %dma_start3A_144, %dma_start3A_145] : memref<2x128x48xf32, #tpu.memory_space<vmem>> -> memref<1x128x48xf32, #tpu.memory_space<vmem>>
          %dma_start3A_147 = tpu.memref_squeeze %dma_start3A_146 : memref<1x128x48xf32, #tpu.memory_space<vmem>> -> memref<128x48xf32, #tpu.memory_space<vmem>>
          %dma_start3A_148 = arith.constant 0 : i32
          %dma_start3A_149 = tpu.memref_slice %arg4[%mul3A_141, %dma_start3A_148] : memref<320000x48xf32, #tpu.memory_space<hbm>> -> memref<128x48xf32, #tpu.memory_space<hbm>>
          %dma_start3A_150 = arith.constant 0 : i32
          %dma_start3A_151 = tpu.memref_slice %arg4[%mul3A_141, %dma_start3A_150] : memref<320000x48xf32, #tpu.memory_space<hbm>> -> memref<128x48xf32, #tpu.memory_space<hbm>>
          %dma_start3A_152 = arith.constant 0 : i32
          %dma_start3A_153 = arith.constant 0 : i32
          %dma_start3A_154 = tpu.memref_slice %arg6[%run_scoped3A_142, %dma_start3A_152, %dma_start3A_153] : memref<2x128x48xf32, #tpu.memory_space<vmem>> -> memref<1x128x48xf32, #tpu.memory_space<vmem>>
          %dma_start3A_155 = tpu.memref_squeeze %dma_start3A_154 : memref<1x128x48xf32, #tpu.memory_space<vmem>> -> memref<128x48xf32, #tpu.memory_space<vmem>>
          tpu.enqueue_dma source(%dma_start3A_155 : memref<128x48xf32, #tpu.memory_space<vmem>>) target(%dma_start3A_151 : memref<128x48xf32, #tpu.memory_space<hbm>>) target_semaphore(%run_scoped3A_143 : memref<!tpu.dma_semaphore, #tpu.memory_space<semaphore_mem>>)
          %dma_wait3A_156 = arith.constant 0 : i32
          %dma_wait3A_157 = arith.constant 0 : i32
          %dma_wait3A_158 = tpu.memref_slice %arg6[%run_scoped3A_142, %dma_wait3A_156, %dma_wait3A_157] : memref<2x128x48xf32, #tpu.memory_space<vmem>> -> memref<1x128x48xf32, #tpu.memory_space<vmem>>
          %dma_wait3A_159 = tpu.memref_squeeze %dma_wait3A_158 : memref<1x128x48xf32, #tpu.memory_space<vmem>> -> memref<128x48xf32, #tpu.memory_space<vmem>>
          %dma_wait3A_160 = arith.constant 0 : i32
          %dma_wait3A_161 = tpu.memref_slice %arg4[%mul3A_141, %dma_wait3A_160] : memref<320000x48xf32, #tpu.memory_space<hbm>> -> memref<128x48xf32, #tpu.memory_space<hbm>>
          %dma_wait3A_162 = arith.constant 0 : i32
          %dma_wait3A_163 = tpu.memref_slice %arg4[%mul3A_141, %dma_wait3A_162] : memref<320000x48xf32, #tpu.memory_space<hbm>> -> memref<128x48xf32, #tpu.memory_space<hbm>>
          %dma_wait3A_164 = arith.constant 0 : i32
          %dma_wait3A_165 = arith.constant 0 : i32
          %dma_wait3A_166 = tpu.memref_slice %arg6[%run_scoped3A_142, %dma_wait3A_164, %dma_wait3A_165] : memref<2x128x48xf32, #tpu.memory_space<vmem>> -> memref<1x128x48xf32, #tpu.memory_space<vmem>>
          %dma_wait3A_167 = tpu.memref_squeeze %dma_wait3A_166 : memref<1x128x48xf32, #tpu.memory_space<vmem>> -> memref<128x48xf32, #tpu.memory_space<vmem>>
          tpu.wait_dma2 semaphore(%run_scoped3A_143 : memref<!tpu.dma_semaphore, #tpu.memory_space<semaphore_mem>>) src(%dma_wait3A_167 : memref<128x48xf32, #tpu.memory_space<vmem>>) dst(%dma_wait3A_163 : memref<128x48xf32, #tpu.memory_space<hbm>>)
          tpu.yield
        }) : () -> ()
      } else {
      }
    }
    return
  }
}

module attributes {stable_mosaic.version = 14 : i64} {
  func.func @_rbf_table_body(%arg0: i32, %arg1: memref<1x1x3200xf32, #tpu.memory_space<vmem>>, %arg2: memref<48x16xf32, #tpu.memory_space<vmem>>, %arg3: memref<3200x48xf32, #tpu.memory_space<vmem>>) attributes {dimension_semantics = [#tpu.dimension_semantics<arbitrary>], iteration_bounds = array<i64: 50>, scalar_prefetch = 0 : i64, scratch_operands = 0 : i64, tpu.core_type = #tpu.core_type<tc>, window_params = [{transform_indices = @transform_0, window_bounds = array<i64: 1, 1, 3200>}, {pipeline_mode = #tpu.pipeline_mode<synchronous>, transform_indices = @transform_1, window_bounds = array<i64: 48, 16>}, {transform_indices = @transform_2, window_bounds = array<i64: 3200, 48>}]} {
    %get3A = arith.constant 0 : index
    %get3A_0 = arith.constant 0 : index
    %get3A_1 = arith.constant 0 : index
    %get3A_2 = vector.load %arg1[%get3A, %get3A_0, %get3A_1] : memref<1x1x3200xf32, #tpu.memory_space<vmem>>, vector<1x1x3200xf32>
    %get3A_3 = vector.shape_cast %get3A_2 : vector<1x1x3200xf32> to vector<1x3200xf32>
    %mul3A = arith.constant 2.000000e-01 : f32
    %mul3A_4 = vector.broadcast %mul3A : f32 to vector<1x3200xf32>
    %mul3A_5 = arith.mulf %get3A_3, %mul3A_4 : vector<1x3200xf32>
    %get3A_6 = arith.constant 0 : index
    %get3A_7 = arith.constant 0 : index
    %get3A_8 = vector.load %arg2[%get3A_6, %get3A_7] : memref<48x16xf32, #tpu.memory_space<vmem>>, vector<48x1xf32>
    %get3A_9 = arith.constant 0 : index
    %get3A_10 = arith.constant 1 : index
    %get3A_11 = vector.load %arg2[%get3A_9, %get3A_10] : memref<48x16xf32, #tpu.memory_space<vmem>>, vector<48x1xf32>
    %mul3A_12 = vector.broadcast %get3A_8 : vector<48x1xf32> to vector<48x3200xf32>
    %mul3A_13 = vector.broadcast %mul3A_5 : vector<1x3200xf32> to vector<48x3200xf32>
    %mul3A_14 = arith.mulf %mul3A_12, %mul3A_13 : vector<48x3200xf32>
    %sin3A = math.sin %mul3A_14 : vector<48x3200xf32>
    %cos3A = math.cos %mul3A_14 : vector<48x3200xf32>
    %div3A = arith.constant 1.000000e+00 : f32
    %div3A_15 = vector.broadcast %div3A : f32 to vector<48x3200xf32>
    %div3A_16 = arith.divf %div3A_15, %mul3A_14 : vector<48x3200xf32>
    %mul3A_17 = arith.mulf %sin3A, %div3A_16 : vector<48x3200xf32>
    %mul3A_18 = arith.mulf %sin3A, %div3A_16 : vector<48x3200xf32>
    %sub3A = arith.subf %mul3A_18, %cos3A : vector<48x3200xf32>
    %mul3A_19 = arith.mulf %sub3A, %div3A_16 : vector<48x3200xf32>
    %get3A_20 = arith.constant 0 : index
    %get3A_21 = arith.constant 2 : index
    %get3A_22 = vector.load %arg2[%get3A_20, %get3A_21] : memref<48x16xf32, #tpu.memory_space<vmem>>, vector<48x1xf32>
    %mul3A_23 = vector.broadcast %get3A_22 : vector<48x1xf32> to vector<48x3200xf32>
    %mul3A_24 = arith.mulf %mul3A_17, %mul3A_23 : vector<48x3200xf32>
    %get3A_25 = arith.constant 0 : index
    %get3A_26 = arith.constant 3 : index
    %get3A_27 = vector.load %arg2[%get3A_25, %get3A_26] : memref<48x16xf32, #tpu.memory_space<vmem>>, vector<48x1xf32>
    %mul3A_28 = vector.broadcast %get3A_27 : vector<48x1xf32> to vector<48x3200xf32>
    %mul3A_29 = arith.mulf %mul3A_19, %mul3A_28 : vector<48x3200xf32>
    %add3A = arith.addf %mul3A_24, %mul3A_29 : vector<48x3200xf32>
    %mul3A_30 = arith.constant 3.000000e+00 : f32
    %mul3A_31 = vector.broadcast %mul3A_30 : f32 to vector<48x3200xf32>
    %mul3A_32 = arith.mulf %mul3A_31, %div3A_16 : vector<48x3200xf32>
    %mul3A_33 = arith.mulf %mul3A_32, %mul3A_19 : vector<48x3200xf32>
    %sub3A_34 = arith.subf %mul3A_33, %mul3A_17 : vector<48x3200xf32>
    %get3A_35 = arith.constant 0 : index
    %get3A_36 = arith.constant 4 : index
    %get3A_37 = vector.load %arg2[%get3A_35, %get3A_36] : memref<48x16xf32, #tpu.memory_space<vmem>>, vector<48x1xf32>
    %mul3A_38 = vector.broadcast %get3A_37 : vector<48x1xf32> to vector<48x3200xf32>
    %mul3A_39 = arith.mulf %sub3A_34, %mul3A_38 : vector<48x3200xf32>
    %add3A_40 = arith.addf %add3A, %mul3A_39 : vector<48x3200xf32>
    %mul3A_41 = arith.constant 5.000000e+00 : f32
    %mul3A_42 = vector.broadcast %mul3A_41 : f32 to vector<48x3200xf32>
    %mul3A_43 = arith.mulf %mul3A_42, %div3A_16 : vector<48x3200xf32>
    %mul3A_44 = arith.mulf %mul3A_43, %sub3A_34 : vector<48x3200xf32>
    %sub3A_45 = arith.subf %mul3A_44, %mul3A_19 : vector<48x3200xf32>
    %get3A_46 = arith.constant 0 : index
    %get3A_47 = arith.constant 5 : index
    %get3A_48 = vector.load %arg2[%get3A_46, %get3A_47] : memref<48x16xf32, #tpu.memory_space<vmem>>, vector<48x1xf32>
    %mul3A_49 = vector.broadcast %get3A_48 : vector<48x1xf32> to vector<48x3200xf32>
    %mul3A_50 = arith.mulf %sub3A_45, %mul3A_49 : vector<48x3200xf32>
    %add3A_51 = arith.addf %add3A_40, %mul3A_50 : vector<48x3200xf32>
    %mul3A_52 = arith.constant 7.000000e+00 : f32
    %mul3A_53 = vector.broadcast %mul3A_52 : f32 to vector<48x3200xf32>
    %mul3A_54 = arith.mulf %mul3A_53, %div3A_16 : vector<48x3200xf32>
    %mul3A_55 = arith.mulf %mul3A_54, %sub3A_45 : vector<48x3200xf32>
    %sub3A_56 = arith.subf %mul3A_55, %sub3A_34 : vector<48x3200xf32>
    %get3A_57 = arith.constant 0 : index
    %get3A_58 = arith.constant 6 : index
    %get3A_59 = vector.load %arg2[%get3A_57, %get3A_58] : memref<48x16xf32, #tpu.memory_space<vmem>>, vector<48x1xf32>
    %mul3A_60 = vector.broadcast %get3A_59 : vector<48x1xf32> to vector<48x3200xf32>
    %mul3A_61 = arith.mulf %sub3A_56, %mul3A_60 : vector<48x3200xf32>
    %add3A_62 = arith.addf %add3A_51, %mul3A_61 : vector<48x3200xf32>
    %mul3A_63 = arith.constant 9.000000e+00 : f32
    %mul3A_64 = vector.broadcast %mul3A_63 : f32 to vector<48x3200xf32>
    %mul3A_65 = arith.mulf %mul3A_64, %div3A_16 : vector<48x3200xf32>
    %mul3A_66 = arith.mulf %mul3A_65, %sub3A_56 : vector<48x3200xf32>
    %sub3A_67 = arith.subf %mul3A_66, %sub3A_45 : vector<48x3200xf32>
    %get3A_68 = arith.constant 0 : index
    %get3A_69 = arith.constant 7 : index
    %get3A_70 = vector.load %arg2[%get3A_68, %get3A_69] : memref<48x16xf32, #tpu.memory_space<vmem>>, vector<48x1xf32>
    %mul3A_71 = vector.broadcast %get3A_70 : vector<48x1xf32> to vector<48x3200xf32>
    %mul3A_72 = arith.mulf %sub3A_67, %mul3A_71 : vector<48x3200xf32>
    %add3A_73 = arith.addf %add3A_62, %mul3A_72 : vector<48x3200xf32>
    %mul3A_74 = arith.constant 1.100000e+01 : f32
    %mul3A_75 = vector.broadcast %mul3A_74 : f32 to vector<48x3200xf32>
    %mul3A_76 = arith.mulf %mul3A_75, %div3A_16 : vector<48x3200xf32>
    %mul3A_77 = arith.mulf %mul3A_76, %sub3A_67 : vector<48x3200xf32>
    %sub3A_78 = arith.subf %mul3A_77, %sub3A_56 : vector<48x3200xf32>
    %get3A_79 = arith.constant 0 : index
    %get3A_80 = arith.constant 8 : index
    %get3A_81 = vector.load %arg2[%get3A_79, %get3A_80] : memref<48x16xf32, #tpu.memory_space<vmem>>, vector<48x1xf32>
    %mul3A_82 = vector.broadcast %get3A_81 : vector<48x1xf32> to vector<48x3200xf32>
    %mul3A_83 = arith.mulf %sub3A_78, %mul3A_82 : vector<48x3200xf32>
    %add3A_84 = arith.addf %add3A_73, %mul3A_83 : vector<48x3200xf32>
    %mul3A_85 = arith.mulf %mul3A_5, %mul3A_5 : vector<1x3200xf32>
    %mul3A_86 = arith.mulf %mul3A_85, %mul3A_85 : vector<1x3200xf32>
    %mul3A_87 = arith.mulf %mul3A_86, %mul3A_5 : vector<1x3200xf32>
    %div3A_88 = arith.constant 1.000000e+00 : f32
    %div3A_89 = vector.broadcast %div3A_88 : f32 to vector<1x3200xf32>
    %div3A_90 = arith.divf %div3A_89, %mul3A_5 : vector<1x3200xf32>
    %mul3A_91 = arith.constant -2.800000e+01 : f32
    %mul3A_92 = vector.broadcast %mul3A_91 : f32 to vector<1x3200xf32>
    %mul3A_93 = arith.mulf %mul3A_92, %mul3A_87 : vector<1x3200xf32>
    %add3A_94 = arith.addf %div3A_90, %mul3A_93 : vector<1x3200xf32>
    %mul3A_95 = arith.constant 4.800000e+01 : f32
    %mul3A_96 = vector.broadcast %mul3A_95 : f32 to vector<1x3200xf32>
    %mul3A_97 = arith.mulf %mul3A_96, %mul3A_87 : vector<1x3200xf32>
    %mul3A_98 = arith.mulf %mul3A_97, %mul3A_5 : vector<1x3200xf32>
    %add3A_99 = arith.addf %add3A_94, %mul3A_98 : vector<1x3200xf32>
    %mul3A_100 = arith.constant -2.100000e+01 : f32
    %mul3A_101 = vector.broadcast %mul3A_100 : f32 to vector<1x3200xf32>
    %mul3A_102 = arith.mulf %mul3A_101, %mul3A_87 : vector<1x3200xf32>
    %mul3A_103 = arith.mulf %mul3A_102, %mul3A_85 : vector<1x3200xf32>
    %add3A_104 = arith.addf %add3A_99, %mul3A_103 : vector<1x3200xf32>
    %lt3A = arith.constant 1.000000e+00 : f32
    %lt3A_105 = vector.broadcast %lt3A : f32 to vector<1x3200xf32>
    %lt3A_106 = arith.cmpf olt, %mul3A_5, %lt3A_105 : vector<1x3200xf32>
    %broadcast_in_dim3A = arith.constant 0.000000e+00 : f32
    %broadcast_in_dim3A_107 = vector.broadcast %broadcast_in_dim3A : f32 to vector<1x3200xf32>
    %select_n3A = arith.select %lt3A_106, %add3A_104, %broadcast_in_dim3A_107 : vector<1x3200xi1>, vector<1x3200xf32>
    %mul3A_108 = vector.broadcast %get3A_11 : vector<48x1xf32> to vector<48x3200xf32>
    %mul3A_109 = arith.mulf %add3A_84, %mul3A_108 : vector<48x3200xf32>
    %mul3A_110 = vector.broadcast %select_n3A : vector<1x3200xf32> to vector<48x3200xf32>
    %mul3A_111 = arith.mulf %mul3A_109, %mul3A_110 : vector<48x3200xf32>
    %transpose3A = tpu.transpose %mul3A_111, [1, 0] : vector<48x3200xf32> -> vector<3200x48xf32>
    %swap3A = arith.constant 0 : index
    %swap3A_112 = arith.constant 0 : index
    %swap3A_113 = vector.load %arg3[%swap3A, %swap3A_112] : memref<3200x48xf32, #tpu.memory_space<vmem>>, vector<3200x48xf32>
    tpu.vector_store %arg3[%swap3A, %swap3A_112], %transpose3A {strides = array<i32>} : memref<3200x48xf32, #tpu.memory_space<vmem>>, vector<3200x48xf32>,
    return
  }
  func.func @transform_0(%arg0: i32) -> (i32, i32, i32) {
    %c0_i32 = arith.constant 0 : i32
    %c0_i32_0 = arith.constant 0 : i32
    %c0_i32_1 = arith.constant 0 : i32
    return %arg0, %c0_i32, %c0_i32_0 : i32, i32, i32
  }
  func.func @transform_1(%arg0: i32) -> (i32, i32) {
    %c0_i32 = arith.constant 0 : i32
    %c0_i32_0 = arith.constant 0 : i32
    %c0_i32_1 = arith.constant 0 : i32
    return %c0_i32, %c0_i32_0 : i32, i32
  }
  func.func @transform_2(%arg0: i32) -> (i32, i32) {
    %c0_i32 = arith.constant 0 : i32
    %c0_i32_0 = arith.constant 0 : i32
    return %arg0, %c0_i32 : i32, i32
  }
}

module attributes {stable_mosaic.version = 14 : i64} {
  func.func @_combine_body(%arg0: i32, %arg1: memref<3200x48xf32, #tpu.memory_space<vmem>>, %arg2: memref<1x1x3200xf32, #tpu.memory_space<vmem>>, %arg3: memref<1x1x3200xf32, #tpu.memory_space<vmem>>, %arg4: memref<16x8xf32, #tpu.memory_space<vmem>>, %arg5: memref<294x16xf32, #tpu.memory_space<vmem>>, %arg6: memref<294x16xf32, #tpu.memory_space<vmem>>, %arg7: memref<294x48xf32, #tpu.memory_space<vmem>>, %arg8: memref<294x3200xf32, #tpu.memory_space<vmem>>) attributes {dimension_semantics = [#tpu.dimension_semantics<arbitrary>], iteration_bounds = array<i64: 100>, scalar_prefetch = 0 : i64, scratch_operands = 0 : i64, tpu.core_type = #tpu.core_type<tc>, window_params = [{transform_indices = @transform_0, window_bounds = array<i64: 3200, 48>}, {transform_indices = @transform_1, window_bounds = array<i64: 1, 1, 3200>}, {transform_indices = @transform_2, window_bounds = array<i64: 1, 1, 3200>}, {pipeline_mode = #tpu.pipeline_mode<synchronous>, transform_indices = @transform_3, window_bounds = array<i64: 16, 8>}, {pipeline_mode = #tpu.pipeline_mode<synchronous>, transform_indices = @transform_4, window_bounds = array<i64: 294, 16>}, {pipeline_mode = #tpu.pipeline_mode<synchronous>, transform_indices = @transform_5, window_bounds = array<i64: 294, 16>}, {pipeline_mode = #tpu.pipeline_mode<synchronous>, transform_indices = @transform_6, window_bounds = array<i64: 294, 48>}, {transform_indices = @transform_7, window_bounds = array<i64: 294, 3200>}]} {
    %get3A = arith.constant 0 : index
    %get3A_0 = arith.constant 0 : index
    %get3A_1 = vector.load %arg4[%get3A, %get3A_0] : memref<16x8xf32, #tpu.memory_space<vmem>>, vector<16x1xf32>
    %get3A_2 = arith.constant 0 : index
    %get3A_3 = arith.constant 1 : index
    %get3A_4 = vector.load %arg4[%get3A_2, %get3A_3] : memref<16x8xf32, #tpu.memory_space<vmem>>, vector<16x1xf32>
    %get3A_5 = arith.constant 0 : index
    %get3A_6 = arith.constant 0 : index
    %get3A_7 = arith.constant 0 : index
    %get3A_8 = vector.load %arg2[%get3A_5, %get3A_6, %get3A_7] : memref<1x1x3200xf32, #tpu.memory_space<vmem>>, vector<1x1x3200xf32>
    %get3A_9 = vector.shape_cast %get3A_8 : vector<1x1x3200xf32> to vector<1x3200xf32>
    %mul3A = vector.broadcast %get3A_1 : vector<16x1xf32> to vector<16x3200xf32>
    %mul3A_10 = vector.broadcast %get3A_9 : vector<1x3200xf32> to vector<16x3200xf32>
    %mul3A_11 = arith.mulf %mul3A, %mul3A_10 : vector<16x3200xf32>
    %add3A = vector.broadcast %get3A_4 : vector<16x1xf32> to vector<16x3200xf32>
    %add3A_12 = arith.addf %mul3A_11, %add3A : vector<16x3200xf32>
    %cos3A = math.cos %add3A_12 : vector<16x3200xf32>
    %get3A_13 = arith.constant 0 : index
    %get3A_14 = arith.constant 0 : index
    %get3A_15 = arith.constant 0 : index
    %get3A_16 = vector.load %arg3[%get3A_13, %get3A_14, %get3A_15] : memref<1x1x3200xf32, #tpu.memory_space<vmem>>, vector<1x1x3200xf32>
    %get3A_17 = vector.shape_cast %get3A_16 : vector<1x1x3200xf32> to vector<1x3200xf32>
    %mul3A_18 = vector.broadcast %get3A_1 : vector<16x1xf32> to vector<16x3200xf32>
    %mul3A_19 = vector.broadcast %get3A_17 : vector<1x3200xf32> to vector<16x3200xf32>
    %mul3A_20 = arith.mulf %mul3A_18, %mul3A_19 : vector<16x3200xf32>
    %add3A_21 = vector.broadcast %get3A_4 : vector<16x1xf32> to vector<16x3200xf32>
    %add3A_22 = arith.addf %mul3A_20, %add3A_21 : vector<16x3200xf32>
    %cos3A_23 = math.cos %add3A_22 : vector<16x3200xf32>
    %get3A_24 = arith.constant 0 : index
    %get3A_25 = arith.constant 0 : index
    %get3A_26 = vector.load %arg5[%get3A_24, %get3A_25] : memref<294x16xf32, #tpu.memory_space<vmem>>, vector<294x16xf32>
    %dot_general3A = arith.constant dense<0.000000e+00> : vector<294x3200xf32>
    %dot_general3A_27 = tpu.matmul %get3A_26, %cos3A, %dot_general3A {dimension_numbers = #tpu.dot_dimension_numbers<[1], [0], [0], [1], [0, 0, 1, 1], [], []>, transpose_lhs_hint = false} : vector<294x16xf32>, vector<16x3200xf32>, vector<294x3200xf32> -> vector<294x3200xf32>
    %get3A_28 = arith.constant 0 : index
    %get3A_29 = arith.constant 0 : index
    %get3A_30 = vector.load %arg6[%get3A_28, %get3A_29] : memref<294x16xf32, #tpu.memory_space<vmem>>, vector<294x16xf32>
    %dot_general3A_31 = arith.constant dense<0.000000e+00> : vector<294x3200xf32>
    %dot_general3A_32 = tpu.matmul %get3A_30, %cos3A_23, %dot_general3A_31 {dimension_numbers = #tpu.dot_dimension_numbers<[1], [0], [0], [1], [0, 0, 1, 1], [], []>, transpose_lhs_hint = false} : vector<294x16xf32>, vector<16x3200xf32>, vector<294x3200xf32> -> vector<294x3200xf32>
    %get3A_33 = arith.constant 0 : index
    %get3A_34 = arith.constant 0 : index
    %get3A_35 = vector.load %arg7[%get3A_33, %get3A_34] : memref<294x48xf32, #tpu.memory_space<vmem>>, vector<294x48xf32>
    %get3A_36 = arith.constant 0 : index
    %get3A_37 = arith.constant 0 : index
    %get3A_38 = vector.load %arg1[%get3A_36, %get3A_37] : memref<3200x48xf32, #tpu.memory_space<vmem>>, vector<3200x48xf32>
    %dot_general3A_39 = arith.constant dense<0.000000e+00> : vector<294x3200xf32>
    %dot_general3A_40 = tpu.matmul %get3A_35, %get3A_38, %dot_general3A_39 {dimension_numbers = #tpu.dot_dimension_numbers<[1], [1], [0], [0], [0, 0, 1, 0], [], []>, transpose_lhs_hint = false} : vector<294x48xf32>, vector<3200x48xf32>, vector<294x3200xf32> -> vector<294x3200xf32>
    %mul3A_41 = arith.mulf %dot_general3A_27, %dot_general3A_32 : vector<294x3200xf32>
    %mul3A_42 = arith.mulf %mul3A_41, %dot_general3A_40 : vector<294x3200xf32>
    %swap3A = arith.constant 0 : index
    %swap3A_43 = arith.constant 0 : index
    %swap3A_44 = vector.load %arg8[%swap3A, %swap3A_43] : memref<294x3200xf32, #tpu.memory_space<vmem>>, vector<294x3200xf32>
    tpu.vector_store %arg8[%swap3A, %swap3A_43], %mul3A_42 {strides = array<i32>} : memref<294x3200xf32, #tpu.memory_space<vmem>>, vector<294x3200xf32>,
    return
  }
  func.func @transform_0(%arg0: i32) -> (i32, i32) {
    %c0_i32 = arith.constant 0 : i32
    %c0_i32_0 = arith.constant 0 : i32
    return %arg0, %c0_i32 : i32, i32
  }
  func.func @transform_1(%arg0: i32) -> (i32, i32, i32) {
    %c0_i32 = arith.constant 0 : i32
    %c0_i32_0 = arith.constant 0 : i32
    %c0_i32_1 = arith.constant 0 : i32
    return %arg0, %c0_i32, %c0_i32_0 : i32, i32, i32
  }
  func.func @transform_2(%arg0: i32) -> (i32, i32, i32) {
    %c0_i32 = arith.constant 0 : i32
    %c0_i32_0 = arith.constant 0 : i32
    %c0_i32_1 = arith.constant 0 : i32
    return %arg0, %c0_i32, %c0_i32_0 : i32, i32, i32
  }
  func.func @transform_3(%arg0: i32) -> (i32, i32) {
    %c0_i32 = arith.constant 0 : i32
    %c0_i32_0 = arith.constant 0 : i32
    %c0_i32_1 = arith.constant 0 : i32
    return %c0_i32, %c0_i32_0 : i32, i32
  }
  func.func @transform_4(%arg0: i32) -> (i32, i32) {
    %c0_i32 = arith.constant 0 : i32
    %c0_i32_0 = arith.constant 0 : i32
    %c0_i32_1 = arith.constant 0 : i32
    return %c0_i32, %c0_i32_0 : i32, i32
  }
  func.func @transform_5(%arg0: i32) -> (i32, i32) {
    %c0_i32 = arith.constant 0 : i32
    %c0_i32_0 = arith.constant 0 : i32
    %c0_i32_1 = arith.constant 0 : i32
    return %c0_i32, %c0_i32_0 : i32, i32
  }
  func.func @transform_6(%arg0: i32) -> (i32, i32) {
    %c0_i32 = arith.constant 0 : i32
    %c0_i32_0 = arith.constant 0 : i32
    %c0_i32_1 = arith.constant 0 : i32
    return %c0_i32, %c0_i32_0 : i32, i32
  }
  func.func @transform_7(%arg0: i32) -> (i32, i32) {
    %c0_i32 = arith.constant 0 : i32
    %c0_i32_0 = arith.constant 0 : i32
    return %c0_i32, %arg0 : i32, i32
  }
}

</mosaic_0001>

<sc_bundles>
// kernel: kernel.5.cloned.1.call-start
scs
__scs_entry_jumppad:
0x0: {  	(pc) =	sbr.rel $0x88, $3  }
0x1: {  	(tag) =	ssettag $0x0;
	lr =	simm.s32 $0x1  }
0x2: {  	[smem:$0x3F9D] =	sst lr;
	_ =	strace $0xD0000000  }
0x3: {  	_ = 	snop  }
0x4: {  	_ = 	snop  }
0x5: {  	_ = 	snop  }
0x6: {  	_ = 	snop  }
0x7: {  	_ = 	snop  }
__scs_overlays_trampoline_lowered:
0x8: {  	[smem:$0x3FAC] =	sst s0  }
0x9: {  	[smem:$0x3FAD] =	sst s1  }
0xa: {  	[smem:$0x3FAE] =	sst s2  }
0xb: {  	[smem:$0x3FAF] =	sst s3  }
0xc: {  	[smem:$0x3FB0] =	sst s4  }
0xd: {  	[smem:$0x3FB1] =	sst s5  }
0xe: {  	[smem:$0x3FB2] =	sst s6  }
0xf: {  	[smem:$0x3FB3] =	sst s7  }
0x10: {  	[smem:$0x3FB4] =	sst s8  }
0x11: {  	[smem:$0x3FB5] =	sst s9;
	s0 =	simm.s32 @!p0 $0x0  }
0x12: {  	s1 =	sld [smem:$0x3F9B];
	s0 =	simm.s32 @p0 $0x1  }
0x13: {  	[smem:$0x3FB6] =	sst s0;
	s0 =	simm.s32 @!p1 $0x0  }
0x14: {  	s2 =	sld [smem:$0x3F9A];
	s0 =	simm.s32 @p1 $0x1  }
0x15: {  	[smem:$0x3FB7] =	sst s0;
	s0 =	simm.s32 @!p2 $0x0  }
0x16: {  	s3 =	sld [smem:$0x3FDB];
	s0 =	simm.s32 @p2 $0x1  }
0x17: {  	s4 =	simm.s32 $0x1BF5;
	[smem:$0x3FB9] =	sst s0  }
0x18: {  	s0 =	sld [smem:$0x3F9C];
	_ =	swait.ge [sflag:s4], $0x0  }
0x19: {  	s7 =	sld [smem:$0x3F9D]  }
0x1a: {  	s8 =	sadd.s32 $0xFFFFE003, lr  }
0x1b: {  	s9 =	sadd.s32 $0xFFFFFEF7, lr;
	s5 =	simm.s32 $0xFFFFFFFF;
	p2 =	slt.u32 s8, $0xFFFFF086  }
0x1c: {  	p1 =	slt.u32 s9, $0xF7A;
	s5 =	simm.s32 @!p2 $0x0  }
0x1d: {  	s5 =	simm.s32 @p1 $0x1;
	p0 =	seq.s32 s7, s2  }
0x1e: {  	s7 =	smul.u32 @!p0 $0xF7A, s2;
	p2 =	seq.s32 @!p0 s5, $0x0  }
0x1f: {  	s9 =	smul.u32 $0xF7A, s1;
	s8 =	simm.s32 @!p0 $0x1BF5;
	p2 =	por !p2, p0  }
0x20: {  	[sflag:s8] =	ssyncset.s32 @!p0 $0xFFFFF086;
	s6 =	sadd.s32 @!p0 s3, s7;
	s7 =	simm.s32 @!p0 $0x108  }
0x21: {  	s3 =	sadd.s32 s3, s9;
	s6 =	sadd.s32 @!p0 $0x88, s6;
	s7 =	simm.s32 @p2 $0x1082  }
0x22: {  	[simem:s7], [sflag:s8] =	dma.local @!p0 [hbm:s6], $0xF7A  }
0x23: {  	s9 =	sor.u32 $0xD0000000, s2;
	s6 =	simm.s32 $0x108;
	_ =	swait.ge @!p0 [sflag:s8], $0x0  }
0x24: {  	s3 =	sadd.s32 $0x88, s3;
	s6 =	simm.s32 @!p1 $0x1082;
	[sflag:s4] =	ssyncset.s32 $0xFFFFF086  }
0x25: {  	[simem:s6], [sflag:s4] =	dma.local [hbm:s3], $0xF7A  }
0x26: {  	[smem:$0x3F9D] =	sst s1;
	(tag) =	ssettag s2;
	_ =	strace s9  }
0x27: {  	s1 =	sld [smem:$0x3FAD]  }
0x28: {  	s2 =	sld [smem:$0x3FAE]  }
0x29: {  	s4 =	sld [smem:$0x3FB0]  }
0x2a: {  	p0 =	seq.s32 s5, $0x0;
	s5 =	sld [smem:$0x3FB1]  }
0x2b: {  	s6 =	sld [smem:$0x3FB2]  }
0x2c: {  	s7 =	sld [smem:$0x3FB3]  }
0x2d: {  	s3 =	simm.s32 $0x108;
	s8 =	sld [smem:$0x3FB4]  }
0x2e: {  	s3 =	simm.s32 @!p0 $0x1082;
	s9 =	sld [smem:$0x3FB5]  }
0x2f: {  	lr =	sadd.s32 s0, s3;
	s0 =	sld [smem:$0x3FAC]  }
0x30: {  	s3 =	sld [smem:$0x3FAF]  }
0x31: {  	[smem:$0x3FB8] =	sst s10  }
0x32: {  	s10 =	sld [smem:$0x3FB6];
	_ =	sdelay $0x3  }
0x33: {  	p0 =	seq.s32 s10, $0x1;
	s10 =	sld [smem:$0x3FB8];
	_ =	sdelay $0x3  }
0x34: {  	[smem:$0x3FB8] =	sst s10  }
0x35: {  	s10 =	sld [smem:$0x3FB7];
	_ =	sdelay $0x3  }
0x36: {  	p1 =	seq.s32 s10, $0x1;
	s10 =	sld [smem:$0x3FB8];
	_ =	sdelay $0x3  }
0x37: {  	[smem:$0x3FB8] =	sst s10  }
0x38: {  	s10 =	sld [smem:$0x3FB9]  }
0x39: {  	_ = 	snop;
	(pc) =	sbr.ind lr, $3  }
0x3a: {  	_ = 	snop  }
0x3b: {  	_ = 	snop  }
0x3c: {  	p2 =	seq.s32 s10, $0x1;
	s10 =	sld [smem:$0x3FB8]  }
0x3d: {  	_ =	shalt  }
0x3e: {  	_ =	shalt  }
0x3f: {  	_ =	shalt  }
0x40: {  	_ =	shalt  }
0x41: {  	_ =	shalt  }
0x42: {  	_ =	shalt  }
0x43: {  	_ =	shalt  }
0x44: {  	_ =	shalt  }
0x45: {  	_ =	shalt  }
0x46: {  	_ =	shalt  }
0x47: {  	_ =	shalt  }
0x48: {  	_ =	shalt  }
0x49: {  	_ =	shalt  }
0x4a: {  	_ =	shalt  }
0x4b: {  	_ =	shalt  }
0x4c: {  	_ =	shalt  }
0x4d: {  	_ =	shalt  }
0x4e: {  	_ =	shalt  }
0x4f: {  	_ =	shalt  }
0x50: {  	_ =	shalt  }
0x51: {  	_ =	shalt  }
0x52: {  	_ =	shalt  }
0x53: {  	_ =	shalt  }
0x54: {  	_ =	shalt  }
0x55: {  	_ =	shalt  }
0x56: {  	_ =	shalt  }
0x57: {  	_ =	shalt  }
0x58: {  	_ =	shalt  }
0x59: {  	_ =	shalt  }
0x5a: {  	_ =	shalt  }
0x5b: {  	_ =	shalt  }
0x5c: {  	_ =	shalt  }
0x5d: {  	_ =	shalt  }
0x5e: {  	_ =	shalt  }
0x5f: {  	_ =	shalt  }
0x60: {  	_ =	shalt  }
0x61: {  	_ =	shalt  }
0x62: {  	_ =	shalt  }
0x63: {  	_ =	shalt  }
0x64: {  	_ =	shalt  }
0x65: {  	_ =	shalt  }
0x66: {  	_ =	shalt  }
0x67: {  	_ =	shalt  }
0x68: {  	_ =	shalt  }
0x69: {  	_ =	shalt  }
0x6a: {  	_ =	shalt  }
0x6b: {  	_ =	shalt  }
0x6c: {  	_ =	shalt  }
0x6d: {  	_ =	shalt  }
0x6e: {  	_ =	shalt  }
0x6f: {  	_ =	shalt  }
0x70: {  	_ =	shalt  }
0x71: {  	_ =	shalt  }
0x72: {  	_ =	shalt  }
0x73: {  	_ =	shalt  }
0x74: {  	_ =	shalt  }
0x75: {  	_ =	shalt  }
0x76: {  	_ =	shalt  }
0x77: {  	_ =	shalt  }
0x78: {  	_ =	shalt  }
0x79: {  	_ =	shalt  }
0x7a: {  	_ =	shalt  }
0x7b: {  	_ =	shalt  }
0x7c: {  	_ =	shalt  }
0x7d: {  	_ =	shalt  }
0x7e: {  	_ =	shalt  }
0x7f: {  	_ =	shalt  }
0x80: {  	_ =	shalt  }
0x81: {  	_ =	shalt  }
0x82: {  	_ =	shalt  }
0x83: {  	_ =	shalt  }
0x84: {  	_ =	shalt  }
0x85: {  	_ =	shalt  }
0x86: {  	_ =	shalt  }
0x87: {  	_ =	shalt  }
.Lfunc_end0:
.L_simem_size_0:
called_computation_lowered:
.L_overlay_start_0:
0x88: {  	s2 =	sld [smem:$0x3FD9]  }
0x89: {  	s3 =	sld [smem:$0x3FFE];
	_ =	sdelay $0x1  }
0x8a: {  	s1 =	srdreg.scid  }
0x8b: {  	s0 =	sand.u32 $0x1, s1  }
0x8c: {  	s17 =	sshll.u32 s0, $0xA;
	s2 =	sadd.s32 s3, s2  }
0x8d: {  	s2 =	sadd.s32 s2, s17  }
0x8e: {  	[smem:$0x3FC4] =	sst s2  }
0x8f: {  	_ = 	snop  }
0x90: {  	s2 =	sld [smem:$0x3FD0];
	(tm) =	ssettm $0x1  }
0x91: {  	s18 =	sld [smem:$0x3FFB];
	_ =	sdelay $0x3  }
0x92: {  	_ =	strace s18  }
0x93: {  	s3 =	sld [smem:$0x3FFC];
	_ =	sdelay $0x3  }
0x94: {  	_ =	strace s3  }
0x95: {  	s3 =	sld [smem:$0x3FFD];
	_ =	sdelay $0x3  }
0x96: {  	_ =	strace s3  }
0x97: {  	_ =	strace $0x8FFFFFFF  }
0x98: {  	s19 =	sld [smem:$0x3FDB];
	_ =	sdelay $0x1  }
0x99: {  	s4 =	simm.s32 $_scs_section_size  }
0x9a: {  	s5 =	simm.s32 $_size__tile_overlayer_lowered;
	s6 =	simm.s32 $_tile_overlayer_lowered  }
0x9b: {  	s22 =	simm.s32 $0x1BFF;
	s21 =	sshll.u32 s6, $0x1;
	s3 =	sadd.s32 s4, s19  }
0x9c: {  	s7 =	simm.s32 $0x0;
	s20 =	sshll.u32 s5, $0x1;
	s5 =	sadd.s32 s21, s3  }
0x9d: {  	[timem:s7], [sflag:s22] =	dma.local [hbm:s5], s20  }
0x9e: {  	_ =	swait.ge [sflag:s22], s20  }
0x9f: {  	s4 =	ssub.s32 $0x0, s20;
	[sflag:s22] =	ssyncset.done $0x0  }
0xa0: {  	[sflag:s22] =	ssyncadd.s32 s4;
	_ =	sdelay $0x1  }
0xa1: {  	s23 =	simm.s32 $0x1B8B  }
0xa2: {  	_ =	swait.ge [sflag:s23], $0x1  }
0xa3: {  	[sflag:s23] =	ssyncset.done $0x0  }
0xa4: {  	s25 =	simm.s32 $0x1B8E;
	s24 =	sld [smem:$0x3FFE];
	[sflag:s23] =	ssyncadd.s32 $0xFFFFFFFF  }
0xa5: {  	s26 =	simm.s32 $execute0_lowered;
	[smem:$0x3FD2] =	sst s25  }
0xa6: {  	s5 =	sshll.u32 s26, $0x1;
	_ =	strace $0x80000046;
	[dreg:$0x1] =	wrdreg $0xFFFFFFFF  }
0xa7: {  	s28 =	simm.s32 $_size_execute0_lowered;
	s3 =	sadd.s32 s3, s5;
	[dreg:$0x0] =	wrdreg $0x0  }
0xa8: {  	s5 =	sshll.u32 s28, $0x1;
	[dreg:$0x2] =	wrdreg s3  }
0xa9: {  	[dreg:$0x3] =	wrdreg s5  }
0xaa: {  	[dreg:$0x4] =	wrdreg $0xC0  }
0xab: {  	_ =	task [dreg:s7], $0x5FFFF  }
0xac: {  	[dreg:$0x1] =	wrdreg $0xFFFFFFFF  }
0xad: {  	[dreg:$0x0] =	wrdreg $0x60  }
0xae: {  	[dreg:$0x2] =	wrdreg s24  }
0xaf: {  	[dreg:$0x3] =	wrdreg s2  }
0xb0: {  	[dreg:$0x4] =	wrdreg $0x9  }
0xb1: {  	_ =	task.clear_ibuf [dreg:s7], $0x5FFFF;
	_ =	strace $0x90000046  }
0xb2: {  	s29 =	simm.s32 $0x9;
	_ =	strace $0x80000048  }
0xb3: {  	_ =	swait.ge [sflag:s29], $0x1  }
0xb4: {  	[sflag:s29] =	ssyncadd.s32 $0xFFFFFFFF  }
0xb5: {  	_ =	strace $0x90000048  }
0xb6: {  	_ =	sfence  }
0xb7: {  	s30 =	sld [smem:$0x0];
	_ =	sdelay $0x2  }
0xb8: {  	s31 =	sshll.u32 s1, $0xD;
	s1 =	sshrl.u32 s1, $0x2  }
0xb9: {  	s3 =	sand.u32 $0x4000, s31;
	s1 =	sadd.s32 s1, s30  }
0xba: {  	s0 =	sor.u32 s3, s0;
	s1 =	sshll.u32 s1, $0x11  }
0xbb: {  	s0 =	sor.u32 s1, s0  }
0xbc: {  	s0 =	sadd.s32 $0x8F2B, s0  }
0xbd: {  	[sflag:s0] =	ssyncadd.remote.s32 $0x1  }
0xbe: {  	_ =	sfence.sel $0xFFFF  }
0xbf: {  	[dreg:$0x0] =	wrdreg $0xFFFFFFFF;
	(pc) =	sbr.abs _section_cstart, $3  }
0xc0: {  	[dreg:$0x1] =	wrdreg $0xFFFFFFFF  }
0xc1: {  	_ =	task.clear_ibuf [dreg:s7], $0x2FFFF;
	_ =	strace $0x9FFFFFFF  }
0xc2: {  	(tm) =	ssettm $0x7FFFFFFF  }
0xc3: {  	_ =	shalt  }
tec
execute0_lowered:
.L_overlay_start_1:
0x0: {  	(tag) =	ssettag $0x1  }
0x1: {  	s5 =	rddreg [dreg:$0x0]  }
0x2: {  	s2 =	rddreg [dreg:$0x1]  }
0x3: {  	s0 =	rddreg [dreg:$0x2]  }
0x4: {  	s4 =	srdreg.scid;
	s1 =	stileid.u32;
	s3 =	simm.s32 $0x0  }
0x5: {  	s14 =	simm.s32 $0x4;
	s15 =	simm.s32 $0x0;
	s10 =	smul.u32 $0x3000, s1  }
0x6: {  	s7 =	sand.u32 $0x1, s4;
	s26 =	sshll.u32 s1, $0x1;
	s12 =	smul.u32 $0x600, s1  }
0x7: {  	[smem:$0x7FF] =	sst s3;
	s4 =	sadd.s32 $0xB200, s5;
	s11 =	smul.u32 $0x1800, s7  }
0x8: {  	s6 =	sor.u32 s7, s26;
	s9 =	ssub.s32 $0x2, s7;
	s13 =	smul.u32 $0x300, s7  }
0x9: {  	_ =	strace $0x80000047;
	s8 =	smul.u32 $0x4F0, s6;
	s28 =	sshrl.u32 s9, $0x1  }
0xa: {  	s29 =	ssub.s32 $0x9E3, s6;
	s12 =	sadd.s32 s12, s2;
	s9 =	ssub.s32 s9, s28  }
0xb: {  	s31 =	sadd.s32 s13, s12;
	s12 =	simm.s32 $0x2780;
	s13 =	simm.s32 $0x1  }
0xc: {  	s8 =	sadd.s32 s8, s5;
	s5 =	sshrl.u32 s29, $0x5;
	s7 =	smax.u32 s9, $0x1  }
0xd: {  	s9 =	sadd.s32 s11, s10;
	s10 =	sadd.s32 $0x6000, s31;
	s30 =	sadd.s32 $0x1, s5  }
0xe: {  	s11 =	simm.s32 $0x3;
	s6 =	sadd.s32 $0x1400, s8;
	s8 =	sand.u32 $0x5E, s30  }
.LBB2_1:
0xf: {  	[tilespmem:s3], [sflag:$0x3] =	stream.linear.gather [hbm4b:s6+s3], $0x2780, $0x38;
	[tilespmem:$0x5780] =	vst v63  }
0x10: {  	p0 =	sne.s32 s8, $0x2  }
.Ltmp0:
0x11: {  	_ = 	snop;
	(pc) =	sbr.rel @!p0 .LBB2_2-.Ltmp0, $4  }
0x12: {  	_ =	swait.ge [sflag:s11], $0x2780  }
0x13: {  	s16 =	simm.s32 $0x80;
	s17 =	simm.s32 $0x2;
	[sflag:s11] =	ssyncset.done $0x0  }
0x14: {  	p3 =	sle.u32 s5, $0x1;
	p1 =	por $0x0, $0x0;
	[sflag:s11] =	ssyncadd.s32 $0xFFFFD880  }
0x15: {  	[tilespmem:s12], [sflag:$0x1] =	stream.indirect.gather [hbm4b:s4+s16], $0x30, s3, s16, $0xb8;
	[tilespmem:$0x5780] =	vst v63  }
0x16: {  	s18 =	simm.s32 @!p3 $0x80;
	s19 =	simm.s32 @!p3 $0x3F80;
	p0 =	por p3, p3  }
0x17: {  	[tilespmem:s19], [sflag:$0x2] =	stream.indirect.gather @!p0 [hbm4b:s4+s18], $0x30, s16, s18, $0xb8;
	[tilespmem:$0x5780] =	vst v63  }
0x18: {  	_ =	swait.ge [sflag:s13], $0x1800  }
0x19: {  	s31 =	sshrl.u32 s9, $0x3;
	p2 =	sne.s32 s8, $0x4;
	[sflag:s13] =	ssyncset.done $0x0  }
0x1a: {  	s16 =	sadd.s32 s2, s31;
	p1 =	sle.u32 @!p0 s5, $0x2;
	[sflag:s13] =	ssyncadd.s32 $0xFFFFE800  }
0x1b: {  	[hbm4b:s16+s3] =	stream.linear.scatter [tilespmem:s12], [sflag:$0x4], $0x1800, $0x38;
	[tilespmem:$0x5780] =	vst v63  }
0x1c: {  	p3 =	sle.u32 s5, $0x3;
	p1 =	por p1, p0;
	_ =	swait.ge [sflag:s14], $0x1800  }
0x1d: {  	s21 =	simm.s32 @!p0 $0x2;
	s18 =	simm.s32 @!p1 $0x80;
	[sflag:s14] =	ssyncset.done $0x0  }
0x1e: {  	s20 =	simm.s32 @!p1 $0x2780;
	s16 =	simm.s32 @!p1 $0x100;
	[sflag:s14] =	ssyncadd.s32 $0xFFFFE800  }
0x1f: {  	[tilespmem:s20], [sflag:$0x1] =	stream.indirect.gather @!p1 [hbm4b:s4+s18], $0x30, s16, s18, $0xb8;
	[tilespmem:$0x5780] =	vst v63  }
.Ltmp1:
0x20: {  	s20 =	simm.s32 $0x4;
	_ =	swait.ge @!p0 [sflag:s21], $0x1800;
	(pc) =	sbr.rel @!p2 .LBB2_5-.Ltmp1, $4  }
0x21: {  	s16 =	simm.s32 $0x180;
	s18 =	simm.s32 @!p0 $0x0;
	[sflag:s21] =	ssyncset.done @!p0 $0x0  }
0x22: {  	p1 =	por $0x1, $0x1;
	[sflag:s21] =	ssyncadd.s32 @!p0 $0xFFFFE800;
	s21 =	simm.s32 @!p0 $0x3  }
0x23: {  	[hbm4b:s10+s18] =	stream.linear.scatter @!p0 [tilespmem:s19], [sflag:$0x3], $0x1800, $0x38;
	[tilespmem:$0x5780] =	vst v63  }
0x24: {  	s18 =	sadd.s32 $0xC000, s10;
	s19 =	sadd.s32 $0x60000, s9;
	_ =	swait.ge @!p0 [sflag:s21], $0x1800  }
.LBB2_4:
0x25: {  	s22 =	simm.s32 @!p3 $0x80;
	s23 =	simm.s32 @!p3 $0x3F80  }
0x26: {  	[sflag:s21] =	ssyncset.done @!p0 $0x0;
	s24 =	smov.u32 s20;
	s25 =	smov.u32 s18  }
0x27: {  	s20 =	sadd.s32 $0x2, s20;
	[sflag:s21] =	ssyncadd.s32 @!p0 $0xFFFFE800;
	p0 =	por p3, p3  }
0x28: {  	[tilespmem:s23], [sflag:$0x2] =	stream.indirect.gather @!p0 [hbm4b:s4+s22], $0x30, s16, s22, $0xb8;
	[tilespmem:$0x5780] =	vst v63  }
0x29: {  	p2 =	sne.s32 s8, s20;
	_ =	swait.ge [sflag:s13], $0x1800  }
0x2a: {  	s21 =	sshrl.u32 s19, $0x3;
	s17 =	sadd.s32 @!p0 $0x2, s17;
	[sflag:s13] =	ssyncset.done $0x0  }
0x2b: {  	s21 =	sadd.s32 s2, s21;
	p3 =	sge.u32 @!p0 s17, s5;
	[sflag:s13] =	ssyncadd.s32 $0xFFFFE800  }
0x2c: {  	[hbm4b:s21+s3] =	stream.linear.scatter [tilespmem:s12], [sflag:$0x4], $0x1800, $0x38;
	[tilespmem:$0x5780] =	vst v63  }
0x2d: {  	s17 =	smov.u32 s24;
	p3 =	por p3, p0;
	_ =	swait.ge [sflag:s14], $0x1800  }
0x2e: {  	s22 =	simm.s32 @!p3 $0x80;
	s21 =	sadd.s32 @!p3 $0x80, s16;
	[sflag:s14] =	ssyncset.done $0x0  }
0x2f: {  	s26 =	simm.s32 @!p0 $0x2;
	s24 =	simm.s32 @!p3 $0x2780;
	[sflag:s14] =	ssyncadd.s32 $0xFFFFE800  }
0x30: {  	[tilespmem:s24], [sflag:$0x1] =	stream.indirect.gather @!p3 [hbm4b:s4+s22], $0x30, s21, s22, $0xb8;
	[tilespmem:$0x5780] =	vst v63  }
.Ltmp2:
0x31: {  	s16 =	sadd.s32 $0x100, s16;
	_ =	swait.ge @!p0 [sflag:s26], $0x1800;
	(pc) =	sbr.rel @p2 .LBB2_4-.Ltmp2, $4  }
0x32: {  	s18 =	sadd.s32 $0xC000, s18;
	s22 =	simm.s32 @!p0 $0x0;
	[sflag:s26] =	ssyncset.done @!p0 $0x0  }
0x33: {  	s24 =	sadd.s32 $0x1, s17;
	s21 =	simm.s32 @!p0 $0x3;
	[sflag:s26] =	ssyncadd.s32 @!p0 $0xFFFFE800  }
0x34: {  	[hbm4b:s25+s22] =	stream.linear.scatter @!p0 [tilespmem:s23], [sflag:$0x3], $0x1800, $0x38;
	[tilespmem:$0x5780] =	vst v63  }
0x35: {  	s19 =	sadd.s32 $0x60000, s19;
	p3 =	sge.u32 s24, s5;
	_ =	swait.ge @!p0 [sflag:s21], $0x1800  }
.LBB2_5:
0x36: {  	p0 =	por p0, !p1  }
0x37: {  	s20 =	simm.s32 @!p3 $0x80;
	[sflag:s21] =	ssyncset.done @!p0 $0x0  }
0x38: {  	s22 =	simm.s32 @!p3 $0x3F80;
	[sflag:s21] =	ssyncadd.s32 @!p0 $0xFFFFE800;
	p0 =	por p3, p3  }
0x39: {  	[tilespmem:s22], [sflag:$0x2] =	stream.indirect.gather @!p0 [hbm4b:s4+s20], $0x30, s16, s20, $0xb8;
	[tilespmem:$0x5780] =	vst v63  }
0x3a: {  	_ =	swait.ge [sflag:s13], $0x1800  }
0x3b: {  	s19 =	sshrl.u32 s19, $0x3;
	s17 =	sadd.s32 @!p0 $0x2, s17;
	[sflag:s13] =	ssyncset.done $0x0  }
0x3c: {  	s19 =	sadd.s32 s2, s19;
	p1 =	sge.u32 @!p0 s17, s5;
	[sflag:s13] =	ssyncadd.s32 $0xFFFFE800  }
0x3d: {  	[hbm4b:s19+s3] =	stream.linear.scatter [tilespmem:s12], [sflag:$0x4], $0x1800, $0x38;
	[tilespmem:$0x5780] =	vst v63  }
0x3e: {  	p1 =	por p1, p0;
	_ =	swait.ge [sflag:s14], $0x1800  }
0x3f: {  	s20 =	simm.s32 @!p0 $0x2;
	s16 =	sadd.s32 @!p1 $0x80, s16;
	[sflag:s14] =	ssyncset.done $0x0  }
0x40: {  	s17 =	simm.s32 @!p1 $0x80;
	s19 =	simm.s32 @!p1 $0x2780;
	[sflag:s14] =	ssyncadd.s32 $0xFFFFE800  }
0x41: {  	[tilespmem:s19], [sflag:$0x1] =	stream.indirect.gather @!p1 [hbm4b:s4+s17], $0x30, s16, s17, $0xb8;
	[tilespmem:$0x5780] =	vst v63  }
0x42: {  	_ =	swait.ge @!p0 [sflag:s20], $0x1800  }
0x43: {  	s15 =	sadd.s32 $0x1, s15;
	[sflag:s20] =	ssyncset.done @!p0 $0x0  }
0x44: {  	s16 =	simm.s32 @!p0 $0x0;
	p1 =	sne.s32 s15, s7;
	[sflag:s20] =	ssyncadd.s32 @!p0 $0xFFFFE800  }
0x45: {  	[hbm4b:s18+s16] =	stream.linear.scatter @!p0 [tilespmem:s22], [sflag:$0x3], $0x1800, $0x38;
	[tilespmem:$0x5780] =	vst v63  }
.Ltmp3:
0x46: {  	_ = 	snop;
	(pc) =	sbr.rel @p1 .LBB2_1-.Ltmp3, $4  }
.Ltmp4:
0x47: {  	s17 =	simm.s32 @!p0 $0x3;
	(pc) =	sbr.rel @!p1 .LBB2_6-.Ltmp4, $4  }
0x48: {  	_ =	swait.ge @!p0 [sflag:s17], $0x1800  }
0x49: {  	[sflag:s17] =	ssyncset.done @!p0 $0x0  }
0x4a: {  	[sflag:s17] =	ssyncadd.s32 @!p0 $0xFFFFE800  }
0x4b: {  	_ = 	snop  }
.LBB2_2:
.Ltmp5:
0x4c: {  	(pc) =	sbr.rel .LBB2_5-.Ltmp5, $2  }
0x4d: {  	_ =	sdelay $0x2  }
0x4e: {  	s18 =	smov.u32 s10;
	s19 =	smov.u32 s9;
	s17 =	simm.s32 $0x0  }
.LBB2_6:
0x4f: {  	_ =	sfence.sel $0x180000  }
0x50: {  	[bflag:$0x0] =	sbarrier.arrive $0xFFFF  }
0x51: {  	p0 =	sne.s32 s1, $0x0;
	_ =	strace $0x90000047  }
0x52: {  	s0 =	sadd.s32 @!p0 $0x100000, s0;
	[bflag:$0x2] =	sbarrier.arrive $0xFFFF  }
0x53: {  	[sflag:s0] =	ssyncadd.tile.s32 @!p0 $0x1;
	_ =	shalt  }
.Lfunc_end2:
_tile_overlayer_lowered:
.L_overlay_start_2:
0x54: {  	(tag) =	ssettag $0x2  }
0x55: {  	s0 =	rddreg [dreg:$0x0];
	s2 =	stileid.u32  }
0x56: {  	s1 =	rddreg [dreg:$0x1];
	p0 =	sne.s32 s2, $0x0  }
0x57: {  	s3 =	rddreg [dreg:$0x2];
	[bflag:$0x3] =	sbarrier.arrive $0xFFFF;
	s2 =	simm.s32 @!p0 $0x1C03  }
0x58: {  	[timem:s3], [sflag:s2] =	dma.local @!p0 [hbm:s0], s1  }
0x59: {  	s0 =	simm.s32 @!p0 $0x3  }
0x5a: {  	_ =	swait.ge @!p0 [sflag:s0], s1  }
0x5b: {  	s1 =	ssub.s32 @!p0 $0x0, s1;
	[sflag:s0] =	ssyncset.done @!p0 $0x0  }
0x5c: {  	[sflag:s0] =	ssyncadd.s32 @!p0 s1  }
0x5d: {  	[bflag:$0x3] =	sbarrier.arrive $0xFFFF  }
0x5e: {  	_ =	shalt  }

</sc_bundles>
